<compile_context>
chip_gen: v7x
topology: tpu7x:2x2x1
jax: 0.10.2.dev20260603
libtpu: 0.0.44.dev20260713+nightly
codegen_flags: <defaults>
</compile_context>

<pallas_src>
import math

import jax
import jax.numpy as jnp
from jax import lax
from jax.experimental import pallas as pl

_B, _L, _H = 4096, 200, 64
_NT = _B * _L
_BL = 2048
_ROWS = _NT // _BL
_RPB = 8
_GRID = _ROWS // _RPB
_TPB = _RPB * _BL


def _fuse_body(e_ref, w_ref, b_ref, be_ref, g_ref, mt_ref, bg_ref):
    mt = lax.dot_general(w_ref[...], e_ref[...], (((0,), (1,)), ((), ())),
                         preferred_element_type=jnp.float32)
    sel = (lax.broadcasted_iota(jnp.int32, (64, 64), 1) == 7).astype(jnp.float32)
    mt = mt + sel * b_ref[...]
    mt_ref[...] = mt - jnp.mean(mt, axis=0, keepdims=True)
    bg_ref[...] = be_ref[...] / g_ref[...]


def _main_body(wd_ref, sm_ref, du_ref, td_ref, mt_ref, bins_ref, gd_ref,
               bg_ref, o_ref):
    mt = mt_ref[...].astype(jnp.bfloat16)
    gd = gd_ref[...]
    bg = bg_ref[...]
    bins = bins_ref[...]
    k = lax.broadcasted_iota(jnp.int16, (64, _BL), 0).astype(jnp.bfloat16)
    for r in range(_RPB):
        wd = wd_ref[r:r + 1, :]
        sm = sm_ref[r:r + 1, :]
        du = du_ref[r:r + 1, :]
        td = td_ref[r:r + 1, :]
        bf = jnp.bfloat16
        hr = jnp.clip(sm // 60, 0, 23)
        theta = sm.astype(jnp.float32) * jnp.float32(2.0 * math.pi / 1440.0)
        sinv = jnp.sin(theta).astype(bf)
        cosv = jnp.cos(theta).astype(bf)
        ld = jnp.log1p(du)
        cnt = jnp.sum((bins < ld).astype(jnp.int32), axis=0, keepdims=True)
        db = jnp.clip(cnt - 1, 0, 9)
        wd_b = wd.astype(bf)
        hr_b = (hr + 8).astype(bf)
        db_b = (db + 32).astype(bf)
        td_b = (td + 42).astype(bf)
        k0 = k[0:16, :]
        k1 = k[16:32, :]
        k2 = k[32:48, :]
        k3 = k[48:64, :]
        s0 = ((k0 == wd_b) | (k0 == bf(7.0)) | (k0 == hr_b)).astype(bf)
        s1 = (k1 == hr_b).astype(bf)
        s2 = ((k2 == db_b) | (k2 == td_b)).astype(bf)
        s3 = jnp.where(k3 == td_b, bf(1.0),
                       jnp.where(k3 == bf(50.0), sinv,
                                 jnp.where(k3 == bf(51.0), cosv, bf(0.0))))
        oh = jnp.concatenate([s0, s1, s2, s3], axis=0)
        ht = lax.dot_general(mt, oh, (((1,), (0,)), ((), ())),
                             preferred_element_type=jnp.float32)
        var = jnp.sum(ht * ht, axis=0, keepdims=True) * jnp.float32(1.0 / 64.0)
        inv = lax.rsqrt(var + 1e-5)
        y = ht * inv + bg
        out = lax.dot_general(y, gd, (((0,), (0,)), ((), ())),
                              preferred_element_type=jnp.float32)
        o_ref[r * _BL:(r + 1) * _BL, :] = out


def kernel(weekdays, start_mins, durations, time_diffs, weekday_table,
           hour_table, time_diff_table, duration_table, duration_bins,
           W, b, gamma, beta):
    f32 = jnp.float32
    wd2 = weekdays.astype(jnp.int32).reshape(_ROWS, _BL)
    sm2 = start_mins.astype(jnp.int32).reshape(_ROWS, _BL)
    du2 = durations.astype(f32).reshape(_ROWS, _BL)
    td2 = time_diffs.astype(jnp.int32).reshape(_ROWS, _BL)

    E = jnp.zeros((64, 48), f32)
    E = E.at[0:7, 0:12].set(weekday_table.astype(f32))
    E = E.at[8:32, 12:24].set(hour_table.astype(f32))
    E = E.at[32:42, 26:34].set(duration_table.astype(f32))
    E = E.at[42:50, 34:42].set(time_diff_table.astype(f32))
    E = E.at[50, 24].set(1.0)
    E = E.at[51, 25].set(1.0)
    Wp = jnp.zeros((48, 64), f32).at[0:42, :].set(W.astype(f32))

    McT, bg = pl.pallas_call(
        _fuse_body,
        out_shape=[jax.ShapeDtypeStruct((64, 64), f32),
                   jax.ShapeDtypeStruct((64, 1), f32)],
    )(E, Wp, b.astype(f32).reshape(64, 1),
      beta.astype(f32).reshape(64, 1), gamma.astype(f32).reshape(64, 1))

    gd = jnp.diag(gamma.astype(f32))
    bins_col = jnp.full((16, 1), jnp.inf, f32).at[0:10, 0].set(
        duration_bins.astype(f32))

    out2 = pl.pallas_call(
        _main_body,
        grid=(_GRID,),
        in_specs=[
            pl.BlockSpec((_RPB, _BL), lambda i: (i, 0)),
            pl.BlockSpec((_RPB, _BL), lambda i: (i, 0)),
            pl.BlockSpec((_RPB, _BL), lambda i: (i, 0)),
            pl.BlockSpec((_RPB, _BL), lambda i: (i, 0)),
            pl.BlockSpec((64, 64), lambda i: (0, 0)),
            pl.BlockSpec((16, 1), lambda i: (0, 0)),
            pl.BlockSpec((64, 64), lambda i: (0, 0)),
            pl.BlockSpec((64, 1), lambda i: (0, 0)),
        ],
        out_specs=pl.BlockSpec((_TPB, 64), lambda i: (i, 0)),
        out_shape=jax.ShapeDtypeStruct((_NT, 64), f32),
    )(wd2, sm2, du2, td2, McT, bins_col, gd, bg)

    return out2.reshape(_B, _L, _H)

# --- scband reference (transcript-rebuilt; emitter-appended) ---
"""Pipeline reference for scband-enhanced-temporal-encoder-20624432956132 (READ-ONLY COPY).

The authoritative reference and input builder live on the scoring server;
editing this copy changes nothing except your own understanding.
"""

import jax, jax.numpy as jnp
import numpy as np
import math

B, L, H = 4096, 200, 64


def setup_inputs(seed: int = 0) -> dict:
    key = jax.random.key(seed)
    ks = jax.random.split(key, 10)
    weekdays = jax.random.randint(ks[0], (B, L), 0, 7, dtype=jnp.int64) if jax.config.jax_enable_x64 else jax.random.randint(ks[0], (B, L), 0, 7, dtype=jnp.int32)
    start_mins = jax.random.randint(ks[1], (B, L), 0, 1440, dtype=weekdays.dtype)
    durations = jax.random.uniform(ks[2], (B, L), dtype=jnp.float32)
    time_diffs = jax.random.randint(ks[3], (B, L), 0, 8, dtype=weekdays.dtype)
    weekday_table = jax.random.normal(ks[4], (7, 12), dtype=jnp.float32)
    hour_table = jax.random.normal(ks[5], (24, 12), dtype=jnp.float32)
    time_diff_table = jax.random.normal(ks[6], (8, 8), dtype=jnp.float32)
    duration_table = jax.random.normal(ks[7], (10, 8), dtype=jnp.float32)
    duration_bins = jnp.linspace(0.0, 8.0, 10, dtype=jnp.float32)
    fan_in = 12 + 12 + 8 + 8 + 2  # 42
    W = jax.random.normal(ks[8], (fan_in, H), dtype=jnp.float32) * (1.0 / math.sqrt(fan_in))
    b = jnp.zeros((H,), dtype=jnp.float32)
    gamma = jnp.ones((H,), dtype=jnp.float32)
    beta = jnp.zeros((H,), dtype=jnp.float32)
    return {
        'weekdays': weekdays,
        'start_mins': start_mins,
        'durations': durations,
        'time_diffs': time_diffs,
        'weekday_table': weekday_table,
        'hour_table': hour_table,
        'time_diff_table': time_diff_table,
        'duration_table': duration_table,
        'duration_bins': duration_bins,
        'W': W,
        'b': b,
        'gamma': gamma,
        'beta': beta,
    }


def reference(weekdays, start_mins, durations, time_diffs, weekday_table, hour_table,
              time_diff_table, duration_table, duration_bins, W, b, gamma, beta):
    # embedding gathers (SparseCore-style jnp.take)
    weekday_emb = jnp.take(weekday_table, weekdays, axis=0)                 # [B, L, 12]
    hours = jnp.clip(start_mins // 60, 0, 23)
    hour_emb = jnp.take(hour_table, hours, axis=0)                         # [B, L, 12]
    theta = start_mins.astype(jnp.float32) / 1440.0 * 2.0 * math.pi
    time_sin = jnp.sin(theta)[..., None]                                    # [B, L, 1]
    time_cos = jnp.cos(theta)[..., None]                                    # [B, L, 1]
    log_dur = jnp.log1p(durations)
    # torch.bucketize(right=False) == searchsorted side='left'
    dur_bins = jnp.searchsorted(duration_bins, log_dur, side='left') - 1
    dur_bins = jnp.clip(dur_bins, 0, 9)
    dur_emb = jnp.take(duration_table, dur_bins, axis=0)                   # [B, L, 8]
    time_diff_emb = jnp.take(time_diff_table, time_diffs, axis=0)          # [B, L, 8]
    features = jnp.concatenate([weekday_emb, hour_emb, time_sin, time_cos, dur_emb, time_diff_emb], axis=-1)  # [B, L, 42]
    h = features @ W + b                                                    # [B, L, H]
    mean = jnp.mean(h, axis=-1, keepdims=True)
    var = jnp.mean(jnp.square(h - mean), axis=-1, keepdims=True)
    hn = (h - mean) / jnp.sqrt(var + 1e-5)
    return hn * gamma + beta

if __name__ == "__main__":
    import jax
    _d = setup_inputs()
    print(jax.jit(kernel)(*tuple(_d.values())))

</pallas_src>

<mosaic_0001>
module attributes {stable_mosaic.version = 14 : i64} {
  func.func @_fuse_body(%arg0: memref<64x48xf32, #tpu.memory_space<vmem>>, %arg1: memref<48x64xf32, #tpu.memory_space<vmem>>, %arg2: memref<64x1xf32, #tpu.memory_space<vmem>>, %arg3: memref<64x1xf32, #tpu.memory_space<vmem>>, %arg4: memref<64x1xf32, #tpu.memory_space<vmem>>, %arg5: memref<64x64xf32, #tpu.memory_space<vmem>>, %arg6: memref<64x1xf32, #tpu.memory_space<vmem>>) attributes {dimension_semantics = [], scalar_prefetch = 0 : i64, scratch_operands = 0 : i64, tpu.core_type = #tpu.core_type<tc>} {
    %get3A = arith.constant 0 : index
    %get3A_0 = arith.constant 0 : index
    %get3A_1 = vector.load %arg1[%get3A, %get3A_0] : memref<48x64xf32, #tpu.memory_space<vmem>>, vector<48x64xf32>
    %get3A_2 = arith.constant 0 : index
    %get3A_3 = arith.constant 0 : index
    %get3A_4 = vector.load %arg0[%get3A_2, %get3A_3] : memref<64x48xf32, #tpu.memory_space<vmem>>, vector<64x48xf32>
    %dot_general3A = arith.constant dense<0.000000e+00> : vector<64x64xf32>
    %dot_general3A_5 = tpu.matmul %get3A_1, %get3A_4, %dot_general3A {dimension_numbers = #tpu.dot_dimension_numbers<[0], [1], [1], [0], [0, 1, 1, 0], [], []>, transpose_lhs_hint = false} : vector<48x64xf32>, vector<64x48xf32>, vector<64x64xf32> -> vector<64x64xf32>
    %iota3A = tpu.iota {dimensions = array<i32: 1>} : vector<64x64xi32>
    %eq3A = arith.constant 7 : i32
    %eq3A_6 = vector.broadcast %eq3A : i32 to vector<64x64xi32>
    %eq3A_7 = arith.cmpi eq, %iota3A, %eq3A_6 : vector<64x64xi32>
    %convert_element_type3A = arith.extui %eq3A_7 : vector<64x64xi1> to vector<64x64xi32>
    %convert_element_type3A_8 = arith.sitofp %convert_element_type3A : vector<64x64xi32> to vector<64x64xf32>
    %get3A_9 = arith.constant 0 : index
    %get3A_10 = arith.constant 0 : index
    %get3A_11 = vector.load %arg2[%get3A_9, %get3A_10] : memref<64x1xf32, #tpu.memory_space<vmem>>, vector<64x1xf32>
    %mul3A = vector.broadcast %get3A_11 : vector<64x1xf32> to vector<64x64xf32>
    %mul3A_12 = arith.mulf %convert_element_type3A_8, %mul3A : vector<64x64xf32>
    %add3A = arith.addf %dot_general3A_5, %mul3A_12 : vector<64x64xf32>
    %reduce_sum3A = arith.constant dense<0.000000e+00> : vector<64xf32>
    %reduce_sum3A_13 = vector.multi_reduction <add>, %add3A, %reduce_sum3A [0] : vector<64x64xf32> to vector<64xf32>
    %broadcast_in_dim3A = vector.shape_cast %reduce_sum3A_13 : vector<64xf32> to vector<1x64xf32>
    %div3A = arith.constant 6.400000e+01 : f32
    %div3A_14 = vector.broadcast %div3A : f32 to vector<1x64xf32>
    %div3A_15 = arith.divf %broadcast_in_dim3A, %div3A_14 : vector<1x64xf32>
    %sub3A = vector.broadcast %div3A_15 : vector<1x64xf32> to vector<64x64xf32>
    %sub3A_16 = arith.subf %add3A, %sub3A : vector<64x64xf32>
    %swap3A = arith.constant 0 : index
    %swap3A_17 = arith.constant 0 : index
    %swap3A_18 = vector.load %arg5[%swap3A, %swap3A_17] : memref<64x64xf32, #tpu.memory_space<vmem>>, vector<64x64xf32>
    tpu.vector_store %arg5[%swap3A, %swap3A_17], %sub3A_16 {strides = array<i32>} : memref<64x64xf32, #tpu.memory_space<vmem>>, vector<64x64xf32>,
    %get3A_19 = arith.constant 0 : index
    %get3A_20 = arith.constant 0 : index
    %get3A_21 = vector.load %arg3[%get3A_19, %get3A_20] : memref<64x1xf32, #tpu.memory_space<vmem>>, vector<64x1xf32>
    %get3A_22 = arith.constant 0 : index
    %get3A_23 = arith.constant 0 : index
    %get3A_24 = vector.load %arg4[%get3A_22, %get3A_23] : memref<64x1xf32, #tpu.memory_space<vmem>>, vector<64x1xf32>
    %div3A_25 = arith.divf %get3A_21, %get3A_24 : vector<64x1xf32>
    %swap3A_26 = arith.constant 0 : index
    %swap3A_27 = arith.constant 0 : index
    %swap3A_28 = vector.load %arg6[%swap3A_26, %swap3A_27] : memref<64x1xf32, #tpu.memory_space<vmem>>, vector<64x1xf32>
    tpu.vector_store %arg6[%swap3A_26, %swap3A_27], %div3A_25 {strides = array<i32>} : memref<64x1xf32, #tpu.memory_space<vmem>>, vector<64x1xf32>,
    return
  }
}

module attributes {stable_mosaic.version = 14 : i64} {
  func.func @_main_body(%arg0: i32, %arg1: memref<8x2048xi32, #tpu.memory_space<vmem>>, %arg2: memref<8x2048xi32, #tpu.memory_space<vmem>>, %arg3: memref<8x2048xf32, #tpu.memory_space<vmem>>, %arg4: memref<8x2048xi32, #tpu.memory_space<vmem>>, %arg5: memref<64x64xf32, #tpu.memory_space<vmem>>, %arg6: memref<16x1xf32, #tpu.memory_space<vmem>>, %arg7: memref<64x64xf32, #tpu.memory_space<vmem>>, %arg8: memref<64x1xf32, #tpu.memory_space<vmem>>, %arg9: memref<16384x64xf32, #tpu.memory_space<vmem>>) attributes {dimension_semantics = [#tpu.dimension_semantics<arbitrary>], iteration_bounds = array<i64: 50>, scalar_prefetch = 0 : i64, scratch_operands = 0 : i64, tpu.core_type = #tpu.core_type<tc>, window_params = [{transform_indices = @transform_0, window_bounds = array<i64: 8, 2048>}, {transform_indices = @transform_1, window_bounds = array<i64: 8, 2048>}, {transform_indices = @transform_2, window_bounds = array<i64: 8, 2048>}, {transform_indices = @transform_3, window_bounds = array<i64: 8, 2048>}, {pipeline_mode = #tpu.pipeline_mode<synchronous>, transform_indices = @transform_4, window_bounds = array<i64: 64, 64>}, {pipeline_mode = #tpu.pipeline_mode<synchronous>, transform_indices = @transform_5, window_bounds = array<i64: 16, 1>}, {pipeline_mode = #tpu.pipeline_mode<synchronous>, transform_indices = @transform_6, window_bounds = array<i64: 64, 64>}, {pipeline_mode = #tpu.pipeline_mode<synchronous>, transform_indices = @transform_7, window_bounds = array<i64: 64, 1>}, {transform_indices = @transform_8, window_bounds = array<i64: 16384, 64>}]} {
    %get3A = arith.constant 0 : index
    %get3A_0 = arith.constant 0 : index
    %get3A_1 = vector.load %arg5[%get3A, %get3A_0] : memref<64x64xf32, #tpu.memory_space<vmem>>, vector<64x64xf32>
    %convert_element_type3A = arith.truncf %get3A_1 : vector<64x64xf32> to vector<64x64xbf16>
    %get3A_2 = arith.constant 0 : index
    %get3A_3 = arith.constant 0 : index
    %get3A_4 = vector.load %arg7[%get3A_2, %get3A_3] : memref<64x64xf32, #tpu.memory_space<vmem>>, vector<64x64xf32>
    %get3A_5 = arith.constant 0 : index
    %get3A_6 = arith.constant 0 : index
    %get3A_7 = vector.load %arg8[%get3A_5, %get3A_6] : memref<64x1xf32, #tpu.memory_space<vmem>>, vector<64x1xf32>
    %get3A_8 = arith.constant 0 : index
    %get3A_9 = arith.constant 0 : index
    %get3A_10 = vector.load %arg6[%get3A_8, %get3A_9] : memref<16x1xf32, #tpu.memory_space<vmem>>, vector<16x1xf32>
    %iota3A = tpu.iota {dimensions = array<i32: 0>} : vector<64x2048xi16>
    %convert_element_type3A_11 = arith.sitofp %iota3A : vector<64x2048xi16> to vector<64x2048xbf16>
    %get3A_12 = arith.constant 0 : index
    %get3A_13 = arith.constant 0 : index
    %get3A_14 = vector.load %arg1[%get3A_12, %get3A_13] : memref<8x2048xi32, #tpu.memory_space<vmem>>, vector<1x2048xi32>
    %get3A_15 = arith.constant 0 : index
    %get3A_16 = arith.constant 0 : index
    %get3A_17 = vector.load %arg2[%get3A_15, %get3A_16] : memref<8x2048xi32, #tpu.memory_space<vmem>>, vector<1x2048xi32>
    %get3A_18 = arith.constant 0 : index
    %get3A_19 = arith.constant 0 : index
    %get3A_20 = vector.load %arg3[%get3A_18, %get3A_19] : memref<8x2048xf32, #tpu.memory_space<vmem>>, vector<1x2048xf32>
    %get3A_21 = arith.constant 0 : index
    %get3A_22 = arith.constant 0 : index
    %get3A_23 = vector.load %arg4[%get3A_21, %get3A_22] : memref<8x2048xi32, #tpu.memory_space<vmem>>, vector<1x2048xi32>
    %jit3A = arith.constant 60 : i32
    %div3A = vector.broadcast %jit3A : i32 to vector<1x2048xi32>
    %div3A_24 = arith.divsi %get3A_17, %div3A : vector<1x2048xi32>
    %sign3A = arith.constant 0 : i32
    %sign3A_25 = vector.broadcast %sign3A : i32 to vector<1x2048xi32>
    %sign3A_26 = arith.cmpi sgt, %get3A_17, %sign3A_25 : vector<1x2048xi32>
    %sign3A_27 = arith.extui %sign3A_26 : vector<1x2048xi1> to vector<1x2048xi32>
    %sign3A_28 = arith.constant 0 : i32
    %sign3A_29 = vector.broadcast %sign3A_28 : i32 to vector<1x2048xi32>
    %sign3A_30 = arith.cmpi slt, %get3A_17, %sign3A_29 : vector<1x2048xi32>
    %sign3A_31 = arith.extui %sign3A_30 : vector<1x2048xi1> to vector<1x2048xi32>
    %sign3A_32 = arith.subi %sign3A_27, %sign3A_31 : vector<1x2048xi32>
    %sign3A_33 = arith.constant 0 : i32
    %sign3A_34 = arith.cmpi sgt, %jit3A, %sign3A_33 : i32
    %sign3A_35 = arith.extui %sign3A_34 : i1 to i32
    %sign3A_36 = arith.constant 0 : i32
    %sign3A_37 = arith.cmpi slt, %jit3A, %sign3A_36 : i32
    %sign3A_38 = arith.extui %sign3A_37 : i1 to i32
    %sign3A_39 = arith.subi %sign3A_35, %sign3A_38 : i32
    %ne3A = vector.broadcast %sign3A_39 : i32 to vector<1x2048xi32>
    %ne3A_40 = arith.cmpi ne, %sign3A_32, %ne3A : vector<1x2048xi32>
    %rem3A = vector.broadcast %jit3A : i32 to vector<1x2048xi32>
    %rem3A_41 = arith.remsi %get3A_17, %rem3A : vector<1x2048xi32>
    %ne3A_42 = arith.constant 0 : i32
    %ne3A_43 = vector.broadcast %ne3A_42 : i32 to vector<1x2048xi32>
    %ne3A_44 = arith.cmpi ne, %rem3A_41, %ne3A_43 : vector<1x2048xi32>
    %and3A = arith.andi %ne3A_40, %ne3A_44 : vector<1x2048xi1>
    %sub3A = arith.constant 1 : i32
    %sub3A_45 = vector.broadcast %sub3A : i32 to vector<1x2048xi32>
    %sub3A_46 = arith.subi %div3A_24, %sub3A_45 : vector<1x2048xi32>
    %select_n3A = arith.select %and3A, %sub3A_46, %div3A_24 : vector<1x2048xi1>, vector<1x2048xi32>
    %jit3A_47 = arith.constant 0 : i32
    %jit3A_48 = arith.constant 23 : i32
    %max3A = vector.broadcast %jit3A_47 : i32 to vector<1x2048xi32>
    %max3A_49 = arith.maxsi %max3A, %select_n3A : vector<1x2048xi32>
    %min3A = vector.broadcast %jit3A_48 : i32 to vector<1x2048xi32>
    %min3A_50 = arith.minsi %min3A, %max3A_49 : vector<1x2048xi32>
    %convert_element_type3A_51 = arith.sitofp %get3A_17 : vector<1x2048xi32> to vector<1x2048xf32>
    %mul3A = arith.constant 0.0043633231 : f32
    %mul3A_52 = vector.broadcast %mul3A : f32 to vector<1x2048xf32>
    %mul3A_53 = arith.mulf %convert_element_type3A_51, %mul3A_52 : vector<1x2048xf32>
    %sin3A = math.sin %mul3A_53 : vector<1x2048xf32>
    %convert_element_type3A_54 = arith.truncf %sin3A : vector<1x2048xf32> to vector<1x2048xbf16>
    %cos3A = math.cos %mul3A_53 : vector<1x2048xf32>
    %convert_element_type3A_55 = arith.truncf %cos3A : vector<1x2048xf32> to vector<1x2048xbf16>
    %log1p3A = math.log1p %get3A_20 : vector<1x2048xf32>
    %lt3A = vector.broadcast %get3A_10 : vector<16x1xf32> to vector<16x2048xf32>
    %lt3A_56 = vector.broadcast %log1p3A : vector<1x2048xf32> to vector<16x2048xf32>
    %lt3A_57 = arith.cmpf olt, %lt3A, %lt3A_56 : vector<16x2048xf32>
    %convert_element_type3A_58 = arith.extui %lt3A_57 : vector<16x2048xi1> to vector<16x2048xi32>
    %reduce_sum3A = arith.constant dense<0> : vector<2048xi32>
    %reduce_sum3A_59 = vector.multi_reduction <add>, %convert_element_type3A_58, %reduce_sum3A [0] : vector<16x2048xi32> to vector<2048xi32>
    %broadcast_in_dim3A = vector.shape_cast %reduce_sum3A_59 : vector<2048xi32> to vector<1x2048xi32>
    %sub3A_60 = arith.constant 1 : i32
    %sub3A_61 = vector.broadcast %sub3A_60 : i32 to vector<1x2048xi32>
    %sub3A_62 = arith.subi %broadcast_in_dim3A, %sub3A_61 : vector<1x2048xi32>
    %jit3A_63 = arith.constant 0 : i32
    %jit3A_64 = arith.constant 9 : i32
    %max3A_65 = vector.broadcast %jit3A_63 : i32 to vector<1x2048xi32>
    %max3A_66 = arith.maxsi %max3A_65, %sub3A_62 : vector<1x2048xi32>
    %min3A_67 = vector.broadcast %jit3A_64 : i32 to vector<1x2048xi32>
    %min3A_68 = arith.minsi %min3A_67, %max3A_66 : vector<1x2048xi32>
    %convert_element_type3A_69 = arith.sitofp %get3A_14 : vector<1x2048xi32> to vector<1x2048xbf16>
    %add3A = arith.constant 8 : i32
    %add3A_70 = vector.broadcast %add3A : i32 to vector<1x2048xi32>
    %add3A_71 = arith.addi %min3A_50, %add3A_70 : vector<1x2048xi32>
    %convert_element_type3A_72 = arith.sitofp %add3A_71 : vector<1x2048xi32> to vector<1x2048xbf16>
    %add3A_73 = arith.constant 32 : i32
    %add3A_74 = vector.broadcast %add3A_73 : i32 to vector<1x2048xi32>
    %add3A_75 = arith.addi %min3A_68, %add3A_74 : vector<1x2048xi32>
    %convert_element_type3A_76 = arith.sitofp %add3A_75 : vector<1x2048xi32> to vector<1x2048xbf16>
    %add3A_77 = arith.constant 42 : i32
    %add3A_78 = vector.broadcast %add3A_77 : i32 to vector<1x2048xi32>
    %add3A_79 = arith.addi %get3A_23, %add3A_78 : vector<1x2048xi32>
    %convert_element_type3A_80 = arith.sitofp %add3A_79 : vector<1x2048xi32> to vector<1x2048xbf16>
    %slice3A = vector.extract_strided_slice %convert_element_type3A_11 {offsets = [0, 0], sizes = [16, 2048], strides = [1, 1]} : vector<64x2048xbf16> to vector<16x2048xbf16>
    %slice3A_81 = vector.extract_strided_slice %convert_element_type3A_11 {offsets = [16, 0], sizes = [16, 2048], strides = [1, 1]} : vector<64x2048xbf16> to vector<16x2048xbf16>
    %slice3A_82 = vector.extract_strided_slice %convert_element_type3A_11 {offsets = [32, 0], sizes = [16, 2048], strides = [1, 1]} : vector<64x2048xbf16> to vector<16x2048xbf16>
    %slice3A_83 = vector.extract_strided_slice %convert_element_type3A_11 {offsets = [48, 0], sizes = [16, 2048], strides = [1, 1]} : vector<64x2048xbf16> to vector<16x2048xbf16>
    %eq3A = vector.broadcast %convert_element_type3A_69 : vector<1x2048xbf16> to vector<16x2048xbf16>
    %eq3A_84 = arith.cmpf oeq, %slice3A, %eq3A : vector<16x2048xbf16>
    %eq3A_85 = arith.constant 7.000000e+00 : bf16
    %eq3A_86 = vector.broadcast %eq3A_85 : bf16 to vector<16x2048xbf16>
    %eq3A_87 = arith.cmpf oeq, %slice3A, %eq3A_86 : vector<16x2048xbf16>
    %or3A = arith.ori %eq3A_84, %eq3A_87 : vector<16x2048xi1>
    %eq3A_88 = vector.broadcast %convert_element_type3A_72 : vector<1x2048xbf16> to vector<16x2048xbf16>
    %eq3A_89 = arith.cmpf oeq, %slice3A, %eq3A_88 : vector<16x2048xbf16>
    %or3A_90 = arith.ori %or3A, %eq3A_89 : vector<16x2048xi1>
    %convert_element_type3A_91 = arith.extui %or3A_90 : vector<16x2048xi1> to vector<16x2048xi32>
    %convert_element_type3A_92 = arith.sitofp %convert_element_type3A_91 : vector<16x2048xi32> to vector<16x2048xf32>
    %convert_element_type3A_93 = arith.truncf %convert_element_type3A_92 : vector<16x2048xf32> to vector<16x2048xbf16>
    %eq3A_94 = vector.broadcast %convert_element_type3A_72 : vector<1x2048xbf16> to vector<16x2048xbf16>
    %eq3A_95 = arith.cmpf oeq, %slice3A_81, %eq3A_94 : vector<16x2048xbf16>
    %convert_element_type3A_96 = arith.extui %eq3A_95 : vector<16x2048xi1> to vector<16x2048xi32>
    %convert_element_type3A_97 = arith.sitofp %convert_element_type3A_96 : vector<16x2048xi32> to vector<16x2048xf32>
    %convert_element_type3A_98 = arith.truncf %convert_element_type3A_97 : vector<16x2048xf32> to vector<16x2048xbf16>
    %eq3A_99 = vector.broadcast %convert_element_type3A_76 : vector<1x2048xbf16> to vector<16x2048xbf16>
    %eq3A_100 = arith.cmpf oeq, %slice3A_82, %eq3A_99 : vector<16x2048xbf16>
    %eq3A_101 = vector.broadcast %convert_element_type3A_80 : vector<1x2048xbf16> to vector<16x2048xbf16>
    %eq3A_102 = arith.cmpf oeq, %slice3A_82, %eq3A_101 : vector<16x2048xbf16>
    %or3A_103 = arith.ori %eq3A_100, %eq3A_102 : vector<16x2048xi1>
    %convert_element_type3A_104 = arith.extui %or3A_103 : vector<16x2048xi1> to vector<16x2048xi32>
    %convert_element_type3A_105 = arith.sitofp %convert_element_type3A_104 : vector<16x2048xi32> to vector<16x2048xf32>
    %convert_element_type3A_106 = arith.truncf %convert_element_type3A_105 : vector<16x2048xf32> to vector<16x2048xbf16>
    %eq3A_107 = vector.broadcast %convert_element_type3A_80 : vector<1x2048xbf16> to vector<16x2048xbf16>
    %eq3A_108 = arith.cmpf oeq, %slice3A_83, %eq3A_107 : vector<16x2048xbf16>
    %eq3A_109 = arith.constant 5.000000e+01 : bf16
    %eq3A_110 = vector.broadcast %eq3A_109 : bf16 to vector<16x2048xbf16>
    %eq3A_111 = arith.cmpf oeq, %slice3A_83, %eq3A_110 : vector<16x2048xbf16>
    %eq3A_112 = arith.constant 5.100000e+01 : bf16
    %eq3A_113 = vector.broadcast %eq3A_112 : bf16 to vector<16x2048xbf16>
    %eq3A_114 = arith.cmpf oeq, %slice3A_83, %eq3A_113 : vector<16x2048xbf16>
    %jit3A_115 = arith.constant 0.000000e+00 : bf16
    %broadcast_in_dim3A_116 = vector.shape_cast %convert_element_type3A_55 : vector<1x2048xbf16> to vector<1x2048xbf16>
    %broadcast_in_dim3A_117 = vector.broadcast %broadcast_in_dim3A_116 : vector<1x2048xbf16> to vector<16x2048xbf16>
    %broadcast_in_dim3A_118 = vector.broadcast %jit3A_115 : bf16 to vector<16x2048xbf16>
    %select_n3A_119 = arith.select %eq3A_114, %broadcast_in_dim3A_117, %broadcast_in_dim3A_118 : vector<16x2048xi1>, vector<16x2048xbf16>
    %broadcast_in_dim3A_120 = vector.shape_cast %convert_element_type3A_54 : vector<1x2048xbf16> to vector<1x2048xbf16>
    %broadcast_in_dim3A_121 = vector.broadcast %broadcast_in_dim3A_120 : vector<1x2048xbf16> to vector<16x2048xbf16>
    %select_n3A_122 = arith.select %eq3A_111, %broadcast_in_dim3A_121, %select_n3A_119 : vector<16x2048xi1>, vector<16x2048xbf16>
    %jit3A_123 = arith.constant 1.000000e+00 : bf16
    %broadcast_in_dim3A_124 = vector.broadcast %jit3A_123 : bf16 to vector<16x2048xbf16>
    %select_n3A_125 = arith.select %eq3A_108, %broadcast_in_dim3A_124, %select_n3A_122 : vector<16x2048xi1>, vector<16x2048xbf16>
    %concatenate3A = tpu.concatenate %convert_element_type3A_93, %convert_element_type3A_98, %convert_element_type3A_106, %select_n3A_125 in 0 : vector<16x2048xbf16>, vector<16x2048xbf16>, vector<16x2048xbf16>, vector<16x2048xbf16> -> vector<64x2048xbf16>
    %dot_general3A = arith.constant dense<0.000000e+00> : vector<64x2048xf32>
    %dot_general3A_126 = tpu.matmul %convert_element_type3A, %concatenate3A, %dot_general3A {dimension_numbers = #tpu.dot_dimension_numbers<[1], [0], [0], [1], [0, 0, 1, 1], [], []>, transpose_lhs_hint = false} : vector<64x64xbf16>, vector<64x2048xbf16>, vector<64x2048xf32> -> vector<64x2048xf32>
    %mul3A_127 = arith.mulf %dot_general3A_126, %dot_general3A_126 : vector<64x2048xf32>
    %reduce_sum3A_128 = arith.constant dense<0.000000e+00> : vector<2048xf32>
    %reduce_sum3A_129 = vector.multi_reduction <add>, %mul3A_127, %reduce_sum3A_128 [0] : vector<64x2048xf32> to vector<2048xf32>
    %broadcast_in_dim3A_130 = vector.shape_cast %reduce_sum3A_129 : vector<2048xf32> to vector<1x2048xf32>
    %mul3A_131 = arith.constant 1.562500e-02 : f32
    %mul3A_132 = vector.broadcast %mul3A_131 : f32 to vector<1x2048xf32>
    %mul3A_133 = arith.mulf %broadcast_in_dim3A_130, %mul3A_132 : vector<1x2048xf32>
    %add3A_134 = arith.constant 9.99999974E-6 : f32
    %add3A_135 = vector.broadcast %add3A_134 : f32 to vector<1x2048xf32>
    %add3A_136 = arith.addf %mul3A_133, %add3A_135 : vector<1x2048xf32>
    %rsqrt3A = math.rsqrt %add3A_136 : vector<1x2048xf32>
    %mul3A_137 = vector.broadcast %rsqrt3A : vector<1x2048xf32> to vector<64x2048xf32>
    %mul3A_138 = arith.mulf %dot_general3A_126, %mul3A_137 : vector<64x2048xf32>
    %add3A_139 = vector.broadcast %get3A_7 : vector<64x1xf32> to vector<64x2048xf32>
    %add3A_140 = arith.addf %mul3A_138, %add3A_139 : vector<64x2048xf32>
    %dot_general3A_141 = arith.constant dense<0.000000e+00> : vector<2048x64xf32>
    %dot_general3A_142 = tpu.matmul %add3A_140, %get3A_4, %dot_general3A_141 {dimension_numbers = #tpu.dot_dimension_numbers<[0], [0], [1], [1], [0, 1, 1, 1], [], []>, transpose_lhs_hint = false} : vector<64x2048xf32>, vector<64x64xf32>, vector<2048x64xf32> -> vector<2048x64xf32>
    %swap3A = arith.constant 0 : index
    %swap3A_143 = arith.constant 0 : index
    %swap3A_144 = vector.load %arg9[%swap3A, %swap3A_143] : memref<16384x64xf32, #tpu.memory_space<vmem>>, vector<2048x64xf32>
    tpu.vector_store %arg9[%swap3A, %swap3A_143], %dot_general3A_142 {strides = array<i32>} : memref<16384x64xf32, #tpu.memory_space<vmem>>, vector<2048x64xf32>,
    %get3A_145 = arith.constant 1 : index
    %get3A_146 = arith.constant 0 : index
    %get3A_147 = vector.load %arg1[%get3A_145, %get3A_146] : memref<8x2048xi32, #tpu.memory_space<vmem>>, vector<1x2048xi32>
    %get3A_148 = arith.constant 1 : index
    %get3A_149 = arith.constant 0 : index
    %get3A_150 = vector.load %arg2[%get3A_148, %get3A_149] : memref<8x2048xi32, #tpu.memory_space<vmem>>, vector<1x2048xi32>
    %get3A_151 = arith.constant 1 : index
    %get3A_152 = arith.constant 0 : index
    %get3A_153 = vector.load %arg3[%get3A_151, %get3A_152] : memref<8x2048xf32, #tpu.memory_space<vmem>>, vector<1x2048xf32>
    %get3A_154 = arith.constant 1 : index
    %get3A_155 = arith.constant 0 : index
    %get3A_156 = vector.load %arg4[%get3A_154, %get3A_155] : memref<8x2048xi32, #tpu.memory_space<vmem>>, vector<1x2048xi32>
    %jit3A_157 = arith.constant 60 : i32
    %div3A_158 = vector.broadcast %jit3A_157 : i32 to vector<1x2048xi32>
    %div3A_159 = arith.divsi %get3A_150, %div3A_158 : vector<1x2048xi32>
    %sign3A_160 = arith.constant 0 : i32
    %sign3A_161 = vector.broadcast %sign3A_160 : i32 to vector<1x2048xi32>
    %sign3A_162 = arith.cmpi sgt, %get3A_150, %sign3A_161 : vector<1x2048xi32>
    %sign3A_163 = arith.extui %sign3A_162 : vector<1x2048xi1> to vector<1x2048xi32>
    %sign3A_164 = arith.constant 0 : i32
    %sign3A_165 = vector.broadcast %sign3A_164 : i32 to vector<1x2048xi32>
    %sign3A_166 = arith.cmpi slt, %get3A_150, %sign3A_165 : vector<1x2048xi32>
    %sign3A_167 = arith.extui %sign3A_166 : vector<1x2048xi1> to vector<1x2048xi32>
    %sign3A_168 = arith.subi %sign3A_163, %sign3A_167 : vector<1x2048xi32>
    %sign3A_169 = arith.constant 0 : i32
    %sign3A_170 = arith.cmpi sgt, %jit3A_157, %sign3A_169 : i32
    %sign3A_171 = arith.extui %sign3A_170 : i1 to i32
    %sign3A_172 = arith.constant 0 : i32
    %sign3A_173 = arith.cmpi slt, %jit3A_157, %sign3A_172 : i32
    %sign3A_174 = arith.extui %sign3A_173 : i1 to i32
    %sign3A_175 = arith.subi %sign3A_171, %sign3A_174 : i32
    %ne3A_176 = vector.broadcast %sign3A_175 : i32 to vector<1x2048xi32>
    %ne3A_177 = arith.cmpi ne, %sign3A_168, %ne3A_176 : vector<1x2048xi32>
    %rem3A_178 = vector.broadcast %jit3A_157 : i32 to vector<1x2048xi32>
    %rem3A_179 = arith.remsi %get3A_150, %rem3A_178 : vector<1x2048xi32>
    %ne3A_180 = arith.constant 0 : i32
    %ne3A_181 = vector.broadcast %ne3A_180 : i32 to vector<1x2048xi32>
    %ne3A_182 = arith.cmpi ne, %rem3A_179, %ne3A_181 : vector<1x2048xi32>
    %and3A_183 = arith.andi %ne3A_177, %ne3A_182 : vector<1x2048xi1>
    %sub3A_184 = arith.constant 1 : i32
    %sub3A_185 = vector.broadcast %sub3A_184 : i32 to vector<1x2048xi32>
    %sub3A_186 = arith.subi %div3A_159, %sub3A_185 : vector<1x2048xi32>
    %select_n3A_187 = arith.select %and3A_183, %sub3A_186, %div3A_159 : vector<1x2048xi1>, vector<1x2048xi32>
    %jit3A_188 = arith.constant 0 : i32
    %jit3A_189 = arith.constant 23 : i32
    %max3A_190 = vector.broadcast %jit3A_188 : i32 to vector<1x2048xi32>
    %max3A_191 = arith.maxsi %max3A_190, %select_n3A_187 : vector<1x2048xi32>
    %min3A_192 = vector.broadcast %jit3A_189 : i32 to vector<1x2048xi32>
    %min3A_193 = arith.minsi %min3A_192, %max3A_191 : vector<1x2048xi32>
    %convert_element_type3A_194 = arith.sitofp %get3A_150 : vector<1x2048xi32> to vector<1x2048xf32>
    %mul3A_195 = arith.constant 0.0043633231 : f32
    %mul3A_196 = vector.broadcast %mul3A_195 : f32 to vector<1x2048xf32>
    %mul3A_197 = arith.mulf %convert_element_type3A_194, %mul3A_196 : vector<1x2048xf32>
    %sin3A_198 = math.sin %mul3A_197 : vector<1x2048xf32>
    %convert_element_type3A_199 = arith.truncf %sin3A_198 : vector<1x2048xf32> to vector<1x2048xbf16>
    %cos3A_200 = math.cos %mul3A_197 : vector<1x2048xf32>
    %convert_element_type3A_201 = arith.truncf %cos3A_200 : vector<1x2048xf32> to vector<1x2048xbf16>
    %log1p3A_202 = math.log1p %get3A_153 : vector<1x2048xf32>
    %lt3A_203 = vector.broadcast %get3A_10 : vector<16x1xf32> to vector<16x2048xf32>
    %lt3A_204 = vector.broadcast %log1p3A_202 : vector<1x2048xf32> to vector<16x2048xf32>
    %lt3A_205 = arith.cmpf olt, %lt3A_203, %lt3A_204 : vector<16x2048xf32>
    %convert_element_type3A_206 = arith.extui %lt3A_205 : vector<16x2048xi1> to vector<16x2048xi32>
    %reduce_sum3A_207 = arith.constant dense<0> : vector<2048xi32>
    %reduce_sum3A_208 = vector.multi_reduction <add>, %convert_element_type3A_206, %reduce_sum3A_207 [0] : vector<16x2048xi32> to vector<2048xi32>
    %broadcast_in_dim3A_209 = vector.shape_cast %reduce_sum3A_208 : vector<2048xi32> to vector<1x2048xi32>
    %sub3A_210 = arith.constant 1 : i32
    %sub3A_211 = vector.broadcast %sub3A_210 : i32 to vector<1x2048xi32>
    %sub3A_212 = arith.subi %broadcast_in_dim3A_209, %sub3A_211 : vector<1x2048xi32>
    %jit3A_213 = arith.constant 0 : i32
    %jit3A_214 = arith.constant 9 : i32
    %max3A_215 = vector.broadcast %jit3A_213 : i32 to vector<1x2048xi32>
    %max3A_216 = arith.maxsi %max3A_215, %sub3A_212 : vector<1x2048xi32>
    %min3A_217 = vector.broadcast %jit3A_214 : i32 to vector<1x2048xi32>
    %min3A_218 = arith.minsi %min3A_217, %max3A_216 : vector<1x2048xi32>
    %convert_element_type3A_219 = arith.sitofp %get3A_147 : vector<1x2048xi32> to vector<1x2048xbf16>
    %add3A_220 = arith.constant 8 : i32
    %add3A_221 = vector.broadcast %add3A_220 : i32 to vector<1x2048xi32>
    %add3A_222 = arith.addi %min3A_193, %add3A_221 : vector<1x2048xi32>
    %convert_element_type3A_223 = arith.sitofp %add3A_222 : vector<1x2048xi32> to vector<1x2048xbf16>
    %add3A_224 = arith.constant 32 : i32
    %add3A_225 = vector.broadcast %add3A_224 : i32 to vector<1x2048xi32>
    %add3A_226 = arith.addi %min3A_218, %add3A_225 : vector<1x2048xi32>
    %convert_element_type3A_227 = arith.sitofp %add3A_226 : vector<1x2048xi32> to vector<1x2048xbf16>
    %add3A_228 = arith.constant 42 : i32
    %add3A_229 = vector.broadcast %add3A_228 : i32 to vector<1x2048xi32>
    %add3A_230 = arith.addi %get3A_156, %add3A_229 : vector<1x2048xi32>
    %convert_element_type3A_231 = arith.sitofp %add3A_230 : vector<1x2048xi32> to vector<1x2048xbf16>
    %slice3A_232 = vector.extract_strided_slice %convert_element_type3A_11 {offsets = [0, 0], sizes = [16, 2048], strides = [1, 1]} : vector<64x2048xbf16> to vector<16x2048xbf16>
    %slice3A_233 = vector.extract_strided_slice %convert_element_type3A_11 {offsets = [16, 0], sizes = [16, 2048], strides = [1, 1]} : vector<64x2048xbf16> to vector<16x2048xbf16>
    %slice3A_234 = vector.extract_strided_slice %convert_element_type3A_11 {offsets = [32, 0], sizes = [16, 2048], strides = [1, 1]} : vector<64x2048xbf16> to vector<16x2048xbf16>
    %slice3A_235 = vector.extract_strided_slice %convert_element_type3A_11 {offsets = [48, 0], sizes = [16, 2048], strides = [1, 1]} : vector<64x2048xbf16> to vector<16x2048xbf16>
    %eq3A_236 = vector.broadcast %convert_element_type3A_219 : vector<1x2048xbf16> to vector<16x2048xbf16>
    %eq3A_237 = arith.cmpf oeq, %slice3A_232, %eq3A_236 : vector<16x2048xbf16>
    %eq3A_238 = arith.constant 7.000000e+00 : bf16
    %eq3A_239 = vector.broadcast %eq3A_238 : bf16 to vector<16x2048xbf16>
    %eq3A_240 = arith.cmpf oeq, %slice3A_232, %eq3A_239 : vector<16x2048xbf16>
    %or3A_241 = arith.ori %eq3A_237, %eq3A_240 : vector<16x2048xi1>
    %eq3A_242 = vector.broadcast %convert_element_type3A_223 : vector<1x2048xbf16> to vector<16x2048xbf16>
    %eq3A_243 = arith.cmpf oeq, %slice3A_232, %eq3A_242 : vector<16x2048xbf16>
    %or3A_244 = arith.ori %or3A_241, %eq3A_243 : vector<16x2048xi1>
    %convert_element_type3A_245 = arith.extui %or3A_244 : vector<16x2048xi1> to vector<16x2048xi32>
    %convert_element_type3A_246 = arith.sitofp %convert_element_type3A_245 : vector<16x2048xi32> to vector<16x2048xf32>
    %convert_element_type3A_247 = arith.truncf %convert_element_type3A_246 : vector<16x2048xf32> to vector<16x2048xbf16>
    %eq3A_248 = vector.broadcast %convert_element_type3A_223 : vector<1x2048xbf16> to vector<16x2048xbf16>
    %eq3A_249 = arith.cmpf oeq, %slice3A_233, %eq3A_248 : vector<16x2048xbf16>
    %convert_element_type3A_250 = arith.extui %eq3A_249 : vector<16x2048xi1> to vector<16x2048xi32>
    %convert_element_type3A_251 = arith.sitofp %convert_element_type3A_250 : vector<16x2048xi32> to vector<16x2048xf32>
    %convert_element_type3A_252 = arith.truncf %convert_element_type3A_251 : vector<16x2048xf32> to vector<16x2048xbf16>
    %eq3A_253 = vector.broadcast %convert_element_type3A_227 : vector<1x2048xbf16> to vector<16x2048xbf16>
    %eq3A_254 = arith.cmpf oeq, %slice3A_234, %eq3A_253 : vector<16x2048xbf16>
    %eq3A_255 = vector.broadcast %convert_element_type3A_231 : vector<1x2048xbf16> to vector<16x2048xbf16>
    %eq3A_256 = arith.cmpf oeq, %slice3A_234, %eq3A_255 : vector<16x2048xbf16>
    %or3A_257 = arith.ori %eq3A_254, %eq3A_256 : vector<16x2048xi1>
    %convert_element_type3A_258 = arith.extui %or3A_257 : vector<16x2048xi1> to vector<16x2048xi32>
    %convert_element_type3A_259 = arith.sitofp %convert_element_type3A_258 : vector<16x2048xi32> to vector<16x2048xf32>
    %convert_element_type3A_260 = arith.truncf %convert_element_type3A_259 : vector<16x2048xf32> to vector<16x2048xbf16>
    %eq3A_261 = vector.broadcast %convert_element_type3A_231 : vector<1x2048xbf16> to vector<16x2048xbf16>
    %eq3A_262 = arith.cmpf oeq, %slice3A_235, %eq3A_261 : vector<16x2048xbf16>
    %eq3A_263 = arith.constant 5.000000e+01 : bf16
    %eq3A_264 = vector.broadcast %eq3A_263 : bf16 to vector<16x2048xbf16>
    %eq3A_265 = arith.cmpf oeq, %slice3A_235, %eq3A_264 : vector<16x2048xbf16>
    %eq3A_266 = arith.constant 5.100000e+01 : bf16
    %eq3A_267 = vector.broadcast %eq3A_266 : bf16 to vector<16x2048xbf16>
    %eq3A_268 = arith.cmpf oeq, %slice3A_235, %eq3A_267 : vector<16x2048xbf16>
    %jit3A_269 = arith.constant 0.000000e+00 : bf16
    %broadcast_in_dim3A_270 = vector.shape_cast %convert_element_type3A_201 : vector<1x2048xbf16> to vector<1x2048xbf16>
    %broadcast_in_dim3A_271 = vector.broadcast %broadcast_in_dim3A_270 : vector<1x2048xbf16> to vector<16x2048xbf16>
    %broadcast_in_dim3A_272 = vector.broadcast %jit3A_269 : bf16 to vector<16x2048xbf16>
    %select_n3A_273 = arith.select %eq3A_268, %broadcast_in_dim3A_271, %broadcast_in_dim3A_272 : vector<16x2048xi1>, vector<16x2048xbf16>
    %broadcast_in_dim3A_274 = vector.shape_cast %convert_element_type3A_199 : vector<1x2048xbf16> to vector<1x2048xbf16>
    %broadcast_in_dim3A_275 = vector.broadcast %broadcast_in_dim3A_274 : vector<1x2048xbf16> to vector<16x2048xbf16>
    %select_n3A_276 = arith.select %eq3A_265, %broadcast_in_dim3A_275, %select_n3A_273 : vector<16x2048xi1>, vector<16x2048xbf16>
    %jit3A_277 = arith.constant 1.000000e+00 : bf16
    %broadcast_in_dim3A_278 = vector.broadcast %jit3A_277 : bf16 to vector<16x2048xbf16>
    %select_n3A_279 = arith.select %eq3A_262, %broadcast_in_dim3A_278, %select_n3A_276 : vector<16x2048xi1>, vector<16x2048xbf16>
    %concatenate3A_280 = tpu.concatenate %convert_element_type3A_247, %convert_element_type3A_252, %convert_element_type3A_260, %select_n3A_279 in 0 : vector<16x2048xbf16>, vector<16x2048xbf16>, vector<16x2048xbf16>, vector<16x2048xbf16> -> vector<64x2048xbf16>
    %dot_general3A_281 = arith.constant dense<0.000000e+00> : vector<64x2048xf32>
    %dot_general3A_282 = tpu.matmul %convert_element_type3A, %concatenate3A_280, %dot_general3A_281 {dimension_numbers = #tpu.dot_dimension_numbers<[1], [0], [0], [1], [0, 0, 1, 1], [], []>, transpose_lhs_hint = false} : vector<64x64xbf16>, vector<64x2048xbf16>, vector<64x2048xf32> -> vector<64x2048xf32>
    %mul3A_283 = arith.mulf %dot_general3A_282, %dot_general3A_282 : vector<64x2048xf32>
    %reduce_sum3A_284 = arith.constant dense<0.000000e+00> : vector<2048xf32>
    %reduce_sum3A_285 = vector.multi_reduction <add>, %mul3A_283, %reduce_sum3A_284 [0] : vector<64x2048xf32> to vector<2048xf32>
    %broadcast_in_dim3A_286 = vector.shape_cast %reduce_sum3A_285 : vector<2048xf32> to vector<1x2048xf32>
    %mul3A_287 = arith.constant 1.562500e-02 : f32
    %mul3A_288 = vector.broadcast %mul3A_287 : f32 to vector<1x2048xf32>
    %mul3A_289 = arith.mulf %broadcast_in_dim3A_286, %mul3A_288 : vector<1x2048xf32>
    %add3A_290 = arith.constant 9.99999974E-6 : f32
    %add3A_291 = vector.broadcast %add3A_290 : f32 to vector<1x2048xf32>
    %add3A_292 = arith.addf %mul3A_289, %add3A_291 : vector<1x2048xf32>
    %rsqrt3A_293 = math.rsqrt %add3A_292 : vector<1x2048xf32>
    %mul3A_294 = vector.broadcast %rsqrt3A_293 : vector<1x2048xf32> to vector<64x2048xf32>
    %mul3A_295 = arith.mulf %dot_general3A_282, %mul3A_294 : vector<64x2048xf32>
    %add3A_296 = vector.broadcast %get3A_7 : vector<64x1xf32> to vector<64x2048xf32>
    %add3A_297 = arith.addf %mul3A_295, %add3A_296 : vector<64x2048xf32>
    %dot_general3A_298 = arith.constant dense<0.000000e+00> : vector<2048x64xf32>
    %dot_general3A_299 = tpu.matmul %add3A_297, %get3A_4, %dot_general3A_298 {dimension_numbers = #tpu.dot_dimension_numbers<[0], [0], [1], [1], [0, 1, 1, 1], [], []>, transpose_lhs_hint = false} : vector<64x2048xf32>, vector<64x64xf32>, vector<2048x64xf32> -> vector<2048x64xf32>
    %swap3A_300 = arith.constant 2048 : index
    %swap3A_301 = arith.constant 0 : index
    %swap3A_302 = vector.load %arg9[%swap3A_300, %swap3A_301] : memref<16384x64xf32, #tpu.memory_space<vmem>>, vector<2048x64xf32>
    tpu.vector_store %arg9[%swap3A_300, %swap3A_301], %dot_general3A_299 {strides = array<i32>} : memref<16384x64xf32, #tpu.memory_space<vmem>>, vector<2048x64xf32>,
    %get3A_303 = arith.constant 2 : index
    %get3A_304 = arith.constant 0 : index
    %get3A_305 = vector.load %arg1[%get3A_303, %get3A_304] : memref<8x2048xi32, #tpu.memory_space<vmem>>, vector<1x2048xi32>
    %get3A_306 = arith.constant 2 : index
    %get3A_307 = arith.constant 0 : index
    %get3A_308 = vector.load %arg2[%get3A_306, %get3A_307] : memref<8x2048xi32, #tpu.memory_space<vmem>>, vector<1x2048xi32>
    %get3A_309 = arith.constant 2 : index
    %get3A_310 = arith.constant 0 : index
    %get3A_311 = vector.load %arg3[%get3A_309, %get3A_310] : memref<8x2048xf32, #tpu.memory_space<vmem>>, vector<1x2048xf32>
    %get3A_312 = arith.constant 2 : index
    %get3A_313 = arith.constant 0 : index
    %get3A_314 = vector.load %arg4[%get3A_312, %get3A_313] : memref<8x2048xi32, #tpu.memory_space<vmem>>, vector<1x2048xi32>
    %jit3A_315 = arith.constant 60 : i32
    %div3A_316 = vector.broadcast %jit3A_315 : i32 to vector<1x2048xi32>
    %div3A_317 = arith.divsi %get3A_308, %div3A_316 : vector<1x2048xi32>
    %sign3A_318 = arith.constant 0 : i32
    %sign3A_319 = vector.broadcast %sign3A_318 : i32 to vector<1x2048xi32>
    %sign3A_320 = arith.cmpi sgt, %get3A_308, %sign3A_319 : vector<1x2048xi32>
    %sign3A_321 = arith.extui %sign3A_320 : vector<1x2048xi1> to vector<1x2048xi32>
    %sign3A_322 = arith.constant 0 : i32
    %sign3A_323 = vector.broadcast %sign3A_322 : i32 to vector<1x2048xi32>
    %sign3A_324 = arith.cmpi slt, %get3A_308, %sign3A_323 : vector<1x2048xi32>
    %sign3A_325 = arith.extui %sign3A_324 : vector<1x2048xi1> to vector<1x2048xi32>
    %sign3A_326 = arith.subi %sign3A_321, %sign3A_325 : vector<1x2048xi32>
    %sign3A_327 = arith.constant 0 : i32
    %sign3A_328 = arith.cmpi sgt, %jit3A_315, %sign3A_327 : i32
    %sign3A_329 = arith.extui %sign3A_328 : i1 to i32
    %sign3A_330 = arith.constant 0 : i32
    %sign3A_331 = arith.cmpi slt, %jit3A_315, %sign3A_330 : i32
    %sign3A_332 = arith.extui %sign3A_331 : i1 to i32
    %sign3A_333 = arith.subi %sign3A_329, %sign3A_332 : i32
    %ne3A_334 = vector.broadcast %sign3A_333 : i32 to vector<1x2048xi32>
    %ne3A_335 = arith.cmpi ne, %sign3A_326, %ne3A_334 : vector<1x2048xi32>
    %rem3A_336 = vector.broadcast %jit3A_315 : i32 to vector<1x2048xi32>
    %rem3A_337 = arith.remsi %get3A_308, %rem3A_336 : vector<1x2048xi32>
    %ne3A_338 = arith.constant 0 : i32
    %ne3A_339 = vector.broadcast %ne3A_338 : i32 to vector<1x2048xi32>
    %ne3A_340 = arith.cmpi ne, %rem3A_337, %ne3A_339 : vector<1x2048xi32>
    %and3A_341 = arith.andi %ne3A_335, %ne3A_340 : vector<1x2048xi1>
    %sub3A_342 = arith.constant 1 : i32
    %sub3A_343 = vector.broadcast %sub3A_342 : i32 to vector<1x2048xi32>
    %sub3A_344 = arith.subi %div3A_317, %sub3A_343 : vector<1x2048xi32>
    %select_n3A_345 = arith.select %and3A_341, %sub3A_344, %div3A_317 : vector<1x2048xi1>, vector<1x2048xi32>
    %jit3A_346 = arith.constant 0 : i32
    %jit3A_347 = arith.constant 23 : i32
    %max3A_348 = vector.broadcast %jit3A_346 : i32 to vector<1x2048xi32>
    %max3A_349 = arith.maxsi %max3A_348, %select_n3A_345 : vector<1x2048xi32>
    %min3A_350 = vector.broadcast %jit3A_347 : i32 to vector<1x2048xi32>
    %min3A_351 = arith.minsi %min3A_350, %max3A_349 : vector<1x2048xi32>
    %convert_element_type3A_352 = arith.sitofp %get3A_308 : vector<1x2048xi32> to vector<1x2048xf32>
    %mul3A_353 = arith.constant 0.0043633231 : f32
    %mul3A_354 = vector.broadcast %mul3A_353 : f32 to vector<1x2048xf32>
    %mul3A_355 = arith.mulf %convert_element_type3A_352, %mul3A_354 : vector<1x2048xf32>
    %sin3A_356 = math.sin %mul3A_355 : vector<1x2048xf32>
    %convert_element_type3A_357 = arith.truncf %sin3A_356 : vector<1x2048xf32> to vector<1x2048xbf16>
    %cos3A_358 = math.cos %mul3A_355 : vector<1x2048xf32>
    %convert_element_type3A_359 = arith.truncf %cos3A_358 : vector<1x2048xf32> to vector<1x2048xbf16>
    %log1p3A_360 = math.log1p %get3A_311 : vector<1x2048xf32>
    %lt3A_361 = vector.broadcast %get3A_10 : vector<16x1xf32> to vector<16x2048xf32>
    %lt3A_362 = vector.broadcast %log1p3A_360 : vector<1x2048xf32> to vector<16x2048xf32>
    %lt3A_363 = arith.cmpf olt, %lt3A_361, %lt3A_362 : vector<16x2048xf32>
    %convert_element_type3A_364 = arith.extui %lt3A_363 : vector<16x2048xi1> to vector<16x2048xi32>
    %reduce_sum3A_365 = arith.constant dense<0> : vector<2048xi32>
    %reduce_sum3A_366 = vector.multi_reduction <add>, %convert_element_type3A_364, %reduce_sum3A_365 [0] : vector<16x2048xi32> to vector<2048xi32>
    %broadcast_in_dim3A_367 = vector.shape_cast %reduce_sum3A_366 : vector<2048xi32> to vector<1x2048xi32>
    %sub3A_368 = arith.constant 1 : i32
    %sub3A_369 = vector.broadcast %sub3A_368 : i32 to vector<1x2048xi32>
    %sub3A_370 = arith.subi %broadcast_in_dim3A_367, %sub3A_369 : vector<1x2048xi32>
    %jit3A_371 = arith.constant 0 : i32
    %jit3A_372 = arith.constant 9 : i32
    %max3A_373 = vector.broadcast %jit3A_371 : i32 to vector<1x2048xi32>
    %max3A_374 = arith.maxsi %max3A_373, %sub3A_370 : vector<1x2048xi32>
    %min3A_375 = vector.broadcast %jit3A_372 : i32 to vector<1x2048xi32>
    %min3A_376 = arith.minsi %min3A_375, %max3A_374 : vector<1x2048xi32>
    %convert_element_type3A_377 = arith.sitofp %get3A_305 : vector<1x2048xi32> to vector<1x2048xbf16>
    %add3A_378 = arith.constant 8 : i32
    %add3A_379 = vector.broadcast %add3A_378 : i32 to vector<1x2048xi32>
    %add3A_380 = arith.addi %min3A_351, %add3A_379 : vector<1x2048xi32>
    %convert_element_type3A_381 = arith.sitofp %add3A_380 : vector<1x2048xi32> to vector<1x2048xbf16>
    %add3A_382 = arith.constant 32 : i32
    %add3A_383 = vector.broadcast %add3A_382 : i32 to vector<1x2048xi32>
    %add3A_384 = arith.addi %min3A_376, %add3A_383 : vector<1x2048xi32>
    %convert_element_type3A_385 = arith.sitofp %add3A_384 : vector<1x2048xi32> to vector<1x2048xbf16>
    %add3A_386 = arith.constant 42 : i32
    %add3A_387 = vector.broadcast %add3A_386 : i32 to vector<1x2048xi32>
    %add3A_388 = arith.addi %get3A_314, %add3A_387 : vector<1x2048xi32>
    %convert_element_type3A_389 = arith.sitofp %add3A_388 : vector<1x2048xi32> to vector<1x2048xbf16>
    %slice3A_390 = vector.extract_strided_slice %convert_element_type3A_11 {offsets = [0, 0], sizes = [16, 2048], strides = [1, 1]} : vector<64x2048xbf16> to vector<16x2048xbf16>
    %slice3A_391 = vector.extract_strided_slice %convert_element_type3A_11 {offsets = [16, 0], sizes = [16, 2048], strides = [1, 1]} : vector<64x2048xbf16> to vector<16x2048xbf16>
    %slice3A_392 = vector.extract_strided_slice %convert_element_type3A_11 {offsets = [32, 0], sizes = [16, 2048], strides = [1, 1]} : vector<64x2048xbf16> to vector<16x2048xbf16>
    %slice3A_393 = vector.extract_strided_slice %convert_element_type3A_11 {offsets = [48, 0], sizes = [16, 2048], strides = [1, 1]} : vector<64x2048xbf16> to vector<16x2048xbf16>
    %eq3A_394 = vector.broadcast %convert_element_type3A_377 : vector<1x2048xbf16> to vector<16x2048xbf16>
    %eq3A_395 = arith.cmpf oeq, %slice3A_390, %eq3A_394 : vector<16x2048xbf16>
    %eq3A_396 = arith.constant 7.000000e+00 : bf16
    %eq3A_397 = vector.broadcast %eq3A_396 : bf16 to vector<16x2048xbf16>
    %eq3A_398 = arith.cmpf oeq, %slice3A_390, %eq3A_397 : vector<16x2048xbf16>
    %or3A_399 = arith.ori %eq3A_395, %eq3A_398 : vector<16x2048xi1>
    %eq3A_400 = vector.broadcast %convert_element_type3A_381 : vector<1x2048xbf16> to vector<16x2048xbf16>
    %eq3A_401 = arith.cmpf oeq, %slice3A_390, %eq3A_400 : vector<16x2048xbf16>
    %or3A_402 = arith.ori %or3A_399, %eq3A_401 : vector<16x2048xi1>
    %convert_element_type3A_403 = arith.extui %or3A_402 : vector<16x2048xi1> to vector<16x2048xi32>
    %convert_element_type3A_404 = arith.sitofp %convert_element_type3A_403 : vector<16x2048xi32> to vector<16x2048xf32>
    %convert_element_type3A_405 = arith.truncf %convert_element_type3A_404 : vector<16x2048xf32> to vector<16x2048xbf16>
    %eq3A_406 = vector.broadcast %convert_element_type3A_381 : vector<1x2048xbf16> to vector<16x2048xbf16>
    %eq3A_407 = arith.cmpf oeq, %slice3A_391, %eq3A_406 : vector<16x2048xbf16>
    %convert_element_type3A_408 = arith.extui %eq3A_407 : vector<16x2048xi1> to vector<16x2048xi32>
    %convert_element_type3A_409 = arith.sitofp %convert_element_type3A_408 : vector<16x2048xi32> to vector<16x2048xf32>
    %convert_element_type3A_410 = arith.truncf %convert_element_type3A_409 : vector<16x2048xf32> to vector<16x2048xbf16>
    %eq3A_411 = vector.broadcast %convert_element_type3A_385 : vector<1x2048xbf16> to vector<16x2048xbf16>
    %eq3A_412 = arith.cmpf oeq, %slice3A_392, %eq3A_411 : vector<16x2048xbf16>
    %eq3A_413 = vector.broadcast %convert_element_type3A_389 : vector<1x2048xbf16> to vector<16x2048xbf16>
    %eq3A_414 = arith.cmpf oeq, %slice3A_392, %eq3A_413 : vector<16x2048xbf16>
    %or3A_415 = arith.ori %eq3A_412, %eq3A_414 : vector<16x2048xi1>
    %convert_element_type3A_416 = arith.extui %or3A_415 : vector<16x2048xi1> to vector<16x2048xi32>
    %convert_element_type3A_417 = arith.sitofp %convert_element_type3A_416 : vector<16x2048xi32> to vector<16x2048xf32>
    %convert_element_type3A_418 = arith.truncf %convert_element_type3A_417 : vector<16x2048xf32> to vector<16x2048xbf16>
    %eq3A_419 = vector.broadcast %convert_element_type3A_389 : vector<1x2048xbf16> to vector<16x2048xbf16>
    %eq3A_420 = arith.cmpf oeq, %slice3A_393, %eq3A_419 : vector<16x2048xbf16>
    %eq3A_421 = arith.constant 5.000000e+01 : bf16
    %eq3A_422 = vector.broadcast %eq3A_421 : bf16 to vector<16x2048xbf16>
    %eq3A_423 = arith.cmpf oeq, %slice3A_393, %eq3A_422 : vector<16x2048xbf16>
    %eq3A_424 = arith.constant 5.100000e+01 : bf16
    %eq3A_425 = vector.broadcast %eq3A_424 : bf16 to vector<16x2048xbf16>
    %eq3A_426 = arith.cmpf oeq, %slice3A_393, %eq3A_425 : vector<16x2048xbf16>
    %jit3A_427 = arith.constant 0.000000e+00 : bf16
    %broadcast_in_dim3A_428 = vector.shape_cast %convert_element_type3A_359 : vector<1x2048xbf16> to vector<1x2048xbf16>
    %broadcast_in_dim3A_429 = vector.broadcast %broadcast_in_dim3A_428 : vector<1x2048xbf16> to vector<16x2048xbf16>
    %broadcast_in_dim3A_430 = vector.broadcast %jit3A_427 : bf16 to vector<16x2048xbf16>
    %select_n3A_431 = arith.select %eq3A_426, %broadcast_in_dim3A_429, %broadcast_in_dim3A_430 : vector<16x2048xi1>, vector<16x2048xbf16>
    %broadcast_in_dim3A_432 = vector.shape_cast %convert_element_type3A_357 : vector<1x2048xbf16> to vector<1x2048xbf16>
    %broadcast_in_dim3A_433 = vector.broadcast %broadcast_in_dim3A_432 : vector<1x2048xbf16> to vector<16x2048xbf16>
    %select_n3A_434 = arith.select %eq3A_423, %broadcast_in_dim3A_433, %select_n3A_431 : vector<16x2048xi1>, vector<16x2048xbf16>
    %jit3A_435 = arith.constant 1.000000e+00 : bf16
    %broadcast_in_dim3A_436 = vector.broadcast %jit3A_435 : bf16 to vector<16x2048xbf16>
    %select_n3A_437 = arith.select %eq3A_420, %broadcast_in_dim3A_436, %select_n3A_434 : vector<16x2048xi1>, vector<16x2048xbf16>
    %concatenate3A_438 = tpu.concatenate %convert_element_type3A_405, %convert_element_type3A_410, %convert_element_type3A_418, %select_n3A_437 in 0 : vector<16x2048xbf16>, vector<16x2048xbf16>, vector<16x2048xbf16>, vector<16x2048xbf16> -> vector<64x2048xbf16>
    %dot_general3A_439 = arith.constant dense<0.000000e+00> : vector<64x2048xf32>
    %dot_general3A_440 = tpu.matmul %convert_element_type3A, %concatenate3A_438, %dot_general3A_439 {dimension_numbers = #tpu.dot_dimension_numbers<[1], [0], [0], [1], [0, 0, 1, 1], [], []>, transpose_lhs_hint = false} : vector<64x64xbf16>, vector<64x2048xbf16>, vector<64x2048xf32> -> vector<64x2048xf32>
    %mul3A_441 = arith.mulf %dot_general3A_440, %dot_general3A_440 : vector<64x2048xf32>
    %reduce_sum3A_442 = arith.constant dense<0.000000e+00> : vector<2048xf32>
    %reduce_sum3A_443 = vector.multi_reduction <add>, %mul3A_441, %reduce_sum3A_442 [0] : vector<64x2048xf32> to vector<2048xf32>
    %broadcast_in_dim3A_444 = vector.shape_cast %reduce_sum3A_443 : vector<2048xf32> to vector<1x2048xf32>
    %mul3A_445 = arith.constant 1.562500e-02 : f32
    %mul3A_446 = vector.broadcast %mul3A_445 : f32 to vector<1x2048xf32>
    %mul3A_447 = arith.mulf %broadcast_in_dim3A_444, %mul3A_446 : vector<1x2048xf32>
    %add3A_448 = arith.constant 9.99999974E-6 : f32
    %add3A_449 = vector.broadcast %add3A_448 : f32 to vector<1x2048xf32>
    %add3A_450 = arith.addf %mul3A_447, %add3A_449 : vector<1x2048xf32>
    %rsqrt3A_451 = math.rsqrt %add3A_450 : vector<1x2048xf32>
    %mul3A_452 = vector.broadcast %rsqrt3A_451 : vector<1x2048xf32> to vector<64x2048xf32>
    %mul3A_453 = arith.mulf %dot_general3A_440, %mul3A_452 : vector<64x2048xf32>
    %add3A_454 = vector.broadcast %get3A_7 : vector<64x1xf32> to vector<64x2048xf32>
    %add3A_455 = arith.addf %mul3A_453, %add3A_454 : vector<64x2048xf32>
    %dot_general3A_456 = arith.constant dense<0.000000e+00> : vector<2048x64xf32>
    %dot_general3A_457 = tpu.matmul %add3A_455, %get3A_4, %dot_general3A_456 {dimension_numbers = #tpu.dot_dimension_numbers<[0], [0], [1], [1], [0, 1, 1, 1], [], []>, transpose_lhs_hint = false} : vector<64x2048xf32>, vector<64x64xf32>, vector<2048x64xf32> -> vector<2048x64xf32>
    %swap3A_458 = arith.constant 4096 : index
    %swap3A_459 = arith.constant 0 : index
    %swap3A_460 = vector.load %arg9[%swap3A_458, %swap3A_459] : memref<16384x64xf32, #tpu.memory_space<vmem>>, vector<2048x64xf32>
    tpu.vector_store %arg9[%swap3A_458, %swap3A_459], %dot_general3A_457 {strides = array<i32>} : memref<16384x64xf32, #tpu.memory_space<vmem>>, vector<2048x64xf32>,
    %get3A_461 = arith.constant 3 : index
    %get3A_462 = arith.constant 0 : index
    %get3A_463 = vector.load %arg1[%get3A_461, %get3A_462] : memref<8x2048xi32, #tpu.memory_space<vmem>>, vector<1x2048xi32>
    %get3A_464 = arith.constant 3 : index
    %get3A_465 = arith.constant 0 : index
    %get3A_466 = vector.load %arg2[%get3A_464, %get3A_465] : memref<8x2048xi32, #tpu.memory_space<vmem>>, vector<1x2048xi32>
    %get3A_467 = arith.constant 3 : index
    %get3A_468 = arith.constant 0 : index
    %get3A_469 = vector.load %arg3[%get3A_467, %get3A_468] : memref<8x2048xf32, #tpu.memory_space<vmem>>, vector<1x2048xf32>
    %get3A_470 = arith.constant 3 : index
    %get3A_471 = arith.constant 0 : index
    %get3A_472 = vector.load %arg4[%get3A_470, %get3A_471] : memref<8x2048xi32, #tpu.memory_space<vmem>>, vector<1x2048xi32>
    %jit3A_473 = arith.constant 60 : i32
    %div3A_474 = vector.broadcast %jit3A_473 : i32 to vector<1x2048xi32>
    %div3A_475 = arith.divsi %get3A_466, %div3A_474 : vector<1x2048xi32>
    %sign3A_476 = arith.constant 0 : i32
    %sign3A_477 = vector.broadcast %sign3A_476 : i32 to vector<1x2048xi32>
    %sign3A_478 = arith.cmpi sgt, %get3A_466, %sign3A_477 : vector<1x2048xi32>
    %sign3A_479 = arith.extui %sign3A_478 : vector<1x2048xi1> to vector<1x2048xi32>
    %sign3A_480 = arith.constant 0 : i32
    %sign3A_481 = vector.broadcast %sign3A_480 : i32 to vector<1x2048xi32>
    %sign3A_482 = arith.cmpi slt, %get3A_466, %sign3A_481 : vector<1x2048xi32>
    %sign3A_483 = arith.extui %sign3A_482 : vector<1x2048xi1> to vector<1x2048xi32>
    %sign3A_484 = arith.subi %sign3A_479, %sign3A_483 : vector<1x2048xi32>
    %sign3A_485 = arith.constant 0 : i32
    %sign3A_486 = arith.cmpi sgt, %jit3A_473, %sign3A_485 : i32
    %sign3A_487 = arith.extui %sign3A_486 : i1 to i32
    %sign3A_488 = arith.constant 0 : i32
    %sign3A_489 = arith.cmpi slt, %jit3A_473, %sign3A_488 : i32
    %sign3A_490 = arith.extui %sign3A_489 : i1 to i32
    %sign3A_491 = arith.subi %sign3A_487, %sign3A_490 : i32
    %ne3A_492 = vector.broadcast %sign3A_491 : i32 to vector<1x2048xi32>
    %ne3A_493 = arith.cmpi ne, %sign3A_484, %ne3A_492 : vector<1x2048xi32>
    %rem3A_494 = vector.broadcast %jit3A_473 : i32 to vector<1x2048xi32>
    %rem3A_495 = arith.remsi %get3A_466, %rem3A_494 : vector<1x2048xi32>
    %ne3A_496 = arith.constant 0 : i32
    %ne3A_497 = vector.broadcast %ne3A_496 : i32 to vector<1x2048xi32>
    %ne3A_498 = arith.cmpi ne, %rem3A_495, %ne3A_497 : vector<1x2048xi32>
    %and3A_499 = arith.andi %ne3A_493, %ne3A_498 : vector<1x2048xi1>
    %sub3A_500 = arith.constant 1 : i32
    %sub3A_501 = vector.broadcast %sub3A_500 : i32 to vector<1x2048xi32>
    %sub3A_502 = arith.subi %div3A_475, %sub3A_501 : vector<1x2048xi32>
    %select_n3A_503 = arith.select %and3A_499, %sub3A_502, %div3A_475 : vector<1x2048xi1>, vector<1x2048xi32>
    %jit3A_504 = arith.constant 0 : i32
    %jit3A_505 = arith.constant 23 : i32
    %max3A_506 = vector.broadcast %jit3A_504 : i32 to vector<1x2048xi32>
    %max3A_507 = arith.maxsi %max3A_506, %select_n3A_503 : vector<1x2048xi32>
    %min3A_508 = vector.broadcast %jit3A_505 : i32 to vector<1x2048xi32>
    %min3A_509 = arith.minsi %min3A_508, %max3A_507 : vector<1x2048xi32>
    %convert_element_type3A_510 = arith.sitofp %get3A_466 : vector<1x2048xi32> to vector<1x2048xf32>
    %mul3A_511 = arith.constant 0.0043633231 : f32
    %mul3A_512 = vector.broadcast %mul3A_511 : f32 to vector<1x2048xf32>
    %mul3A_513 = arith.mulf %convert_element_type3A_510, %mul3A_512 : vector<1x2048xf32>
    %sin3A_514 = math.sin %mul3A_513 : vector<1x2048xf32>
    %convert_element_type3A_515 = arith.truncf %sin3A_514 : vector<1x2048xf32> to vector<1x2048xbf16>
    %cos3A_516 = math.cos %mul3A_513 : vector<1x2048xf32>
    %convert_element_type3A_517 = arith.truncf %cos3A_516 : vector<1x2048xf32> to vector<1x2048xbf16>
    %log1p3A_518 = math.log1p %get3A_469 : vector<1x2048xf32>
    %lt3A_519 = vector.broadcast %get3A_10 : vector<16x1xf32> to vector<16x2048xf32>
    %lt3A_520 = vector.broadcast %log1p3A_518 : vector<1x2048xf32> to vector<16x2048xf32>
    %lt3A_521 = arith.cmpf olt, %lt3A_519, %lt3A_520 : vector<16x2048xf32>
    %convert_element_type3A_522 = arith.extui %lt3A_521 : vector<16x2048xi1> to vector<16x2048xi32>
    %reduce_sum3A_523 = arith.constant dense<0> : vector<2048xi32>
    %reduce_sum3A_524 = vector.multi_reduction <add>, %convert_element_type3A_522, %reduce_sum3A_523 [0] : vector<16x2048xi32> to vector<2048xi32>
    %broadcast_in_dim3A_525 = vector.shape_cast %reduce_sum3A_524 : vector<2048xi32> to vector<1x2048xi32>
    %sub3A_526 = arith.constant 1 : i32
    %sub3A_527 = vector.broadcast %sub3A_526 : i32 to vector<1x2048xi32>
    %sub3A_528 = arith.subi %broadcast_in_dim3A_525, %sub3A_527 : vector<1x2048xi32>
    %jit3A_529 = arith.constant 0 : i32
    %jit3A_530 = arith.constant 9 : i32
    %max3A_531 = vector.broadcast %jit3A_529 : i32 to vector<1x2048xi32>
    %max3A_532 = arith.maxsi %max3A_531, %sub3A_528 : vector<1x2048xi32>
    %min3A_533 = vector.broadcast %jit3A_530 : i32 to vector<1x2048xi32>
    %min3A_534 = arith.minsi %min3A_533, %max3A_532 : vector<1x2048xi32>
    %convert_element_type3A_535 = arith.sitofp %get3A_463 : vector<1x2048xi32> to vector<1x2048xbf16>
    %add3A_536 = arith.constant 8 : i32
    %add3A_537 = vector.broadcast %add3A_536 : i32 to vector<1x2048xi32>
    %add3A_538 = arith.addi %min3A_509, %add3A_537 : vector<1x2048xi32>
    %convert_element_type3A_539 = arith.sitofp %add3A_538 : vector<1x2048xi32> to vector<1x2048xbf16>
    %add3A_540 = arith.constant 32 : i32
    %add3A_541 = vector.broadcast %add3A_540 : i32 to vector<1x2048xi32>
    %add3A_542 = arith.addi %min3A_534, %add3A_541 : vector<1x2048xi32>
    %convert_element_type3A_543 = arith.sitofp %add3A_542 : vector<1x2048xi32> to vector<1x2048xbf16>
    %add3A_544 = arith.constant 42 : i32
    %add3A_545 = vector.broadcast %add3A_544 : i32 to vector<1x2048xi32>
    %add3A_546 = arith.addi %get3A_472, %add3A_545 : vector<1x2048xi32>
    %convert_element_type3A_547 = arith.sitofp %add3A_546 : vector<1x2048xi32> to vector<1x2048xbf16>
    %slice3A_548 = vector.extract_strided_slice %convert_element_type3A_11 {offsets = [0, 0], sizes = [16, 2048], strides = [1, 1]} : vector<64x2048xbf16> to vector<16x2048xbf16>
    %slice3A_549 = vector.extract_strided_slice %convert_element_type3A_11 {offsets = [16, 0], sizes = [16, 2048], strides = [1, 1]} : vector<64x2048xbf16> to vector<16x2048xbf16>
    %slice3A_550 = vector.extract_strided_slice %convert_element_type3A_11 {offsets = [32, 0], sizes = [16, 2048], strides = [1, 1]} : vector<64x2048xbf16> to vector<16x2048xbf16>
    %slice3A_551 = vector.extract_strided_slice %convert_element_type3A_11 {offsets = [48, 0], sizes = [16, 2048], strides = [1, 1]} : vector<64x2048xbf16> to vector<16x2048xbf16>
    %eq3A_552 = vector.broadcast %convert_element_type3A_535 : vector<1x2048xbf16> to vector<16x2048xbf16>
    %eq3A_553 = arith.cmpf oeq, %slice3A_548, %eq3A_552 : vector<16x2048xbf16>
    %eq3A_554 = arith.constant 7.000000e+00 : bf16
    %eq3A_555 = vector.broadcast %eq3A_554 : bf16 to vector<16x2048xbf16>
    %eq3A_556 = arith.cmpf oeq, %slice3A_548, %eq3A_555 : vector<16x2048xbf16>
    %or3A_557 = arith.ori %eq3A_553, %eq3A_556 : vector<16x2048xi1>
    %eq3A_558 = vector.broadcast %convert_element_type3A_539 : vector<1x2048xbf16> to vector<16x2048xbf16>
    %eq3A_559 = arith.cmpf oeq, %slice3A_548, %eq3A_558 : vector<16x2048xbf16>
    %or3A_560 = arith.ori %or3A_557, %eq3A_559 : vector<16x2048xi1>
    %convert_element_type3A_561 = arith.extui %or3A_560 : vector<16x2048xi1> to vector<16x2048xi32>
    %convert_element_type3A_562 = arith.sitofp %convert_element_type3A_561 : vector<16x2048xi32> to vector<16x2048xf32>
    %convert_element_type3A_563 = arith.truncf %convert_element_type3A_562 : vector<16x2048xf32> to vector<16x2048xbf16>
    %eq3A_564 = vector.broadcast %convert_element_type3A_539 : vector<1x2048xbf16> to vector<16x2048xbf16>
    %eq3A_565 = arith.cmpf oeq, %slice3A_549, %eq3A_564 : vector<16x2048xbf16>
    %convert_element_type3A_566 = arith.extui %eq3A_565 : vector<16x2048xi1> to vector<16x2048xi32>
    %convert_element_type3A_567 = arith.sitofp %convert_element_type3A_566 : vector<16x2048xi32> to vector<16x2048xf32>
    %convert_element_type3A_568 = arith.truncf %convert_element_type3A_567 : vector<16x2048xf32> to vector<16x2048xbf16>
    %eq3A_569 = vector.broadcast %convert_element_type3A_543 : vector<1x2048xbf16> to vector<16x2048xbf16>
    %eq3A_570 = arith.cmpf oeq, %slice3A_550, %eq3A_569 : vector<16x2048xbf16>
    %eq3A_571 = vector.broadcast %convert_element_type3A_547 : vector<1x2048xbf16> to vector<16x2048xbf16>
    %eq3A_572 = arith.cmpf oeq, %slice3A_550, %eq3A_571 : vector<16x2048xbf16>
    %or3A_573 = arith.ori %eq3A_570, %eq3A_572 : vector<16x2048xi1>
    %convert_element_type3A_574 = arith.extui %or3A_573 : vector<16x2048xi1> to vector<16x2048xi32>
    %convert_element_type3A_575 = arith.sitofp %convert_element_type3A_574 : vector<16x2048xi32> to vector<16x2048xf32>
    %convert_element_type3A_576 = arith.truncf %convert_element_type3A_575 : vector<16x2048xf32> to vector<16x2048xbf16>
    %eq3A_577 = vector.broadcast %convert_element_type3A_547 : vector<1x2048xbf16> to vector<16x2048xbf16>
    %eq3A_578 = arith.cmpf oeq, %slice3A_551, %eq3A_577 : vector<16x2048xbf16>
    %eq3A_579 = arith.constant 5.000000e+01 : bf16
    %eq3A_580 = vector.broadcast %eq3A_579 : bf16 to vector<16x2048xbf16>
    %eq3A_581 = arith.cmpf oeq, %slice3A_551, %eq3A_580 : vector<16x2048xbf16>
    %eq3A_582 = arith.constant 5.100000e+01 : bf16
    %eq3A_583 = vector.broadcast %eq3A_582 : bf16 to vector<16x2048xbf16>
    %eq3A_584 = arith.cmpf oeq, %slice3A_551, %eq3A_583 : vector<16x2048xbf16>
    %jit3A_585 = arith.constant 0.000000e+00 : bf16
    %broadcast_in_dim3A_586 = vector.shape_cast %convert_element_type3A_517 : vector<1x2048xbf16> to vector<1x2048xbf16>
    %broadcast_in_dim3A_587 = vector.broadcast %broadcast_in_dim3A_586 : vector<1x2048xbf16> to vector<16x2048xbf16>
    %broadcast_in_dim3A_588 = vector.broadcast %jit3A_585 : bf16 to vector<16x2048xbf16>
    %select_n3A_589 = arith.select %eq3A_584, %broadcast_in_dim3A_587, %broadcast_in_dim3A_588 : vector<16x2048xi1>, vector<16x2048xbf16>
    %broadcast_in_dim3A_590 = vector.shape_cast %convert_element_type3A_515 : vector<1x2048xbf16> to vector<1x2048xbf16>
    %broadcast_in_dim3A_591 = vector.broadcast %broadcast_in_dim3A_590 : vector<1x2048xbf16> to vector<16x2048xbf16>
    %select_n3A_592 = arith.select %eq3A_581, %broadcast_in_dim3A_591, %select_n3A_589 : vector<16x2048xi1>, vector<16x2048xbf16>
    %jit3A_593 = arith.constant 1.000000e+00 : bf16
    %broadcast_in_dim3A_594 = vector.broadcast %jit3A_593 : bf16 to vector<16x2048xbf16>
    %select_n3A_595 = arith.select %eq3A_578, %broadcast_in_dim3A_594, %select_n3A_592 : vector<16x2048xi1>, vector<16x2048xbf16>
    %concatenate3A_596 = tpu.concatenate %convert_element_type3A_563, %convert_element_type3A_568, %convert_element_type3A_576, %select_n3A_595 in 0 : vector<16x2048xbf16>, vector<16x2048xbf16>, vector<16x2048xbf16>, vector<16x2048xbf16> -> vector<64x2048xbf16>
    %dot_general3A_597 = arith.constant dense<0.000000e+00> : vector<64x2048xf32>
    %dot_general3A_598 = tpu.matmul %convert_element_type3A, %concatenate3A_596, %dot_general3A_597 {dimension_numbers = #tpu.dot_dimension_numbers<[1], [0], [0], [1], [0, 0, 1, 1], [], []>, transpose_lhs_hint = false} : vector<64x64xbf16>, vector<64x2048xbf16>, vector<64x2048xf32> -> vector<64x2048xf32>
    %mul3A_599 = arith.mulf %dot_general3A_598, %dot_general3A_598 : vector<64x2048xf32>
    %reduce_sum3A_600 = arith.constant dense<0.000000e+00> : vector<2048xf32>
    %reduce_sum3A_601 = vector.multi_reduction <add>, %mul3A_599, %reduce_sum3A_600 [0] : vector<64x2048xf32> to vector<2048xf32>
    %broadcast_in_dim3A_602 = vector.shape_cast %reduce_sum3A_601 : vector<2048xf32> to vector<1x2048xf32>
    %mul3A_603 = arith.constant 1.562500e-02 : f32
    %mul3A_604 = vector.broadcast %mul3A_603 : f32 to vector<1x2048xf32>
    %mul3A_605 = arith.mulf %broadcast_in_dim3A_602, %mul3A_604 : vector<1x2048xf32>
    %add3A_606 = arith.constant 9.99999974E-6 : f32
    %add3A_607 = vector.broadcast %add3A_606 : f32 to vector<1x2048xf32>
    %add3A_608 = arith.addf %mul3A_605, %add3A_607 : vector<1x2048xf32>
    %rsqrt3A_609 = math.rsqrt %add3A_608 : vector<1x2048xf32>
    %mul3A_610 = vector.broadcast %rsqrt3A_609 : vector<1x2048xf32> to vector<64x2048xf32>
    %mul3A_611 = arith.mulf %dot_general3A_598, %mul3A_610 : vector<64x2048xf32>
    %add3A_612 = vector.broadcast %get3A_7 : vector<64x1xf32> to vector<64x2048xf32>
    %add3A_613 = arith.addf %mul3A_611, %add3A_612 : vector<64x2048xf32>
    %dot_general3A_614 = arith.constant dense<0.000000e+00> : vector<2048x64xf32>
    %dot_general3A_615 = tpu.matmul %add3A_613, %get3A_4, %dot_general3A_614 {dimension_numbers = #tpu.dot_dimension_numbers<[0], [0], [1], [1], [0, 1, 1, 1], [], []>, transpose_lhs_hint = false} : vector<64x2048xf32>, vector<64x64xf32>, vector<2048x64xf32> -> vector<2048x64xf32>
    %swap3A_616 = arith.constant 6144 : index
    %swap3A_617 = arith.constant 0 : index
    %swap3A_618 = vector.load %arg9[%swap3A_616, %swap3A_617] : memref<16384x64xf32, #tpu.memory_space<vmem>>, vector<2048x64xf32>
    tpu.vector_store %arg9[%swap3A_616, %swap3A_617], %dot_general3A_615 {strides = array<i32>} : memref<16384x64xf32, #tpu.memory_space<vmem>>, vector<2048x64xf32>,
    %get3A_619 = arith.constant 4 : index
    %get3A_620 = arith.constant 0 : index
    %get3A_621 = vector.load %arg1[%get3A_619, %get3A_620] : memref<8x2048xi32, #tpu.memory_space<vmem>>, vector<1x2048xi32>
    %get3A_622 = arith.constant 4 : index
    %get3A_623 = arith.constant 0 : index
    %get3A_624 = vector.load %arg2[%get3A_622, %get3A_623] : memref<8x2048xi32, #tpu.memory_space<vmem>>, vector<1x2048xi32>
    %get3A_625 = arith.constant 4 : index
    %get3A_626 = arith.constant 0 : index
    %get3A_627 = vector.load %arg3[%get3A_625, %get3A_626] : memref<8x2048xf32, #tpu.memory_space<vmem>>, vector<1x2048xf32>
    %get3A_628 = arith.constant 4 : index
    %get3A_629 = arith.constant 0 : index
    %get3A_630 = vector.load %arg4[%get3A_628, %get3A_629] : memref<8x2048xi32, #tpu.memory_space<vmem>>, vector<1x2048xi32>
    %jit3A_631 = arith.constant 60 : i32
    %div3A_632 = vector.broadcast %jit3A_631 : i32 to vector<1x2048xi32>
    %div3A_633 = arith.divsi %get3A_624, %div3A_632 : vector<1x2048xi32>
    %sign3A_634 = arith.constant 0 : i32
    %sign3A_635 = vector.broadcast %sign3A_634 : i32 to vector<1x2048xi32>
    %sign3A_636 = arith.cmpi sgt, %get3A_624, %sign3A_635 : vector<1x2048xi32>
    %sign3A_637 = arith.extui %sign3A_636 : vector<1x2048xi1> to vector<1x2048xi32>
    %sign3A_638 = arith.constant 0 : i32
    %sign3A_639 = vector.broadcast %sign3A_638 : i32 to vector<1x2048xi32>
    %sign3A_640 = arith.cmpi slt, %get3A_624, %sign3A_639 : vector<1x2048xi32>
    %sign3A_641 = arith.extui %sign3A_640 : vector<1x2048xi1> to vector<1x2048xi32>
    %sign3A_642 = arith.subi %sign3A_637, %sign3A_641 : vector<1x2048xi32>
    %sign3A_643 = arith.constant 0 : i32
    %sign3A_644 = arith.cmpi sgt, %jit3A_631, %sign3A_643 : i32
    %sign3A_645 = arith.extui %sign3A_644 : i1 to i32
    %sign3A_646 = arith.constant 0 : i32
    %sign3A_647 = arith.cmpi slt, %jit3A_631, %sign3A_646 : i32
    %sign3A_648 = arith.extui %sign3A_647 : i1 to i32
    %sign3A_649 = arith.subi %sign3A_645, %sign3A_648 : i32
    %ne3A_650 = vector.broadcast %sign3A_649 : i32 to vector<1x2048xi32>
    %ne3A_651 = arith.cmpi ne, %sign3A_642, %ne3A_650 : vector<1x2048xi32>
    %rem3A_652 = vector.broadcast %jit3A_631 : i32 to vector<1x2048xi32>
    %rem3A_653 = arith.remsi %get3A_624, %rem3A_652 : vector<1x2048xi32>
    %ne3A_654 = arith.constant 0 : i32
    %ne3A_655 = vector.broadcast %ne3A_654 : i32 to vector<1x2048xi32>
    %ne3A_656 = arith.cmpi ne, %rem3A_653, %ne3A_655 : vector<1x2048xi32>
    %and3A_657 = arith.andi %ne3A_651, %ne3A_656 : vector<1x2048xi1>
    %sub3A_658 = arith.constant 1 : i32
    %sub3A_659 = vector.broadcast %sub3A_658 : i32 to vector<1x2048xi32>
    %sub3A_660 = arith.subi %div3A_633, %sub3A_659 : vector<1x2048xi32>
    %select_n3A_661 = arith.select %and3A_657, %sub3A_660, %div3A_633 : vector<1x2048xi1>, vector<1x2048xi32>
    %jit3A_662 = arith.constant 0 : i32
    %jit3A_663 = arith.constant 23 : i32
    %max3A_664 = vector.broadcast %jit3A_662 : i32 to vector<1x2048xi32>
    %max3A_665 = arith.maxsi %max3A_664, %select_n3A_661 : vector<1x2048xi32>
    %min3A_666 = vector.broadcast %jit3A_663 : i32 to vector<1x2048xi32>
    %min3A_667 = arith.minsi %min3A_666, %max3A_665 : vector<1x2048xi32>
    %convert_element_type3A_668 = arith.sitofp %get3A_624 : vector<1x2048xi32> to vector<1x2048xf32>
    %mul3A_669 = arith.constant 0.0043633231 : f32
    %mul3A_670 = vector.broadcast %mul3A_669 : f32 to vector<1x2048xf32>
    %mul3A_671 = arith.mulf %convert_element_type3A_668, %mul3A_670 : vector<1x2048xf32>
    %sin3A_672 = math.sin %mul3A_671 : vector<1x2048xf32>
    %convert_element_type3A_673 = arith.truncf %sin3A_672 : vector<1x2048xf32> to vector<1x2048xbf16>
    %cos3A_674 = math.cos %mul3A_671 : vector<1x2048xf32>
    %convert_element_type3A_675 = arith.truncf %cos3A_674 : vector<1x2048xf32> to vector<1x2048xbf16>
    %log1p3A_676 = math.log1p %get3A_627 : vector<1x2048xf32>
    %lt3A_677 = vector.broadcast %get3A_10 : vector<16x1xf32> to vector<16x2048xf32>
    %lt3A_678 = vector.broadcast %log1p3A_676 : vector<1x2048xf32> to vector<16x2048xf32>
    %lt3A_679 = arith.cmpf olt, %lt3A_677, %lt3A_678 : vector<16x2048xf32>
    %convert_element_type3A_680 = arith.extui %lt3A_679 : vector<16x2048xi1> to vector<16x2048xi32>
    %reduce_sum3A_681 = arith.constant dense<0> : vector<2048xi32>
    %reduce_sum3A_682 = vector.multi_reduction <add>, %convert_element_type3A_680, %reduce_sum3A_681 [0] : vector<16x2048xi32> to vector<2048xi32>
    %broadcast_in_dim3A_683 = vector.shape_cast %reduce_sum3A_682 : vector<2048xi32> to vector<1x2048xi32>
    %sub3A_684 = arith.constant 1 : i32
    %sub3A_685 = vector.broadcast %sub3A_684 : i32 to vector<1x2048xi32>
    %sub3A_686 = arith.subi %broadcast_in_dim3A_683, %sub3A_685 : vector<1x2048xi32>
    %jit3A_687 = arith.constant 0 : i32
    %jit3A_688 = arith.constant 9 : i32
    %max3A_689 = vector.broadcast %jit3A_687 : i32 to vector<1x2048xi32>
    %max3A_690 = arith.maxsi %max3A_689, %sub3A_686 : vector<1x2048xi32>
    %min3A_691 = vector.broadcast %jit3A_688 : i32 to vector<1x2048xi32>
    %min3A_692 = arith.minsi %min3A_691, %max3A_690 : vector<1x2048xi32>
    %convert_element_type3A_693 = arith.sitofp %get3A_621 : vector<1x2048xi32> to vector<1x2048xbf16>
    %add3A_694 = arith.constant 8 : i32
    %add3A_695 = vector.broadcast %add3A_694 : i32 to vector<1x2048xi32>
    %add3A_696 = arith.addi %min3A_667, %add3A_695 : vector<1x2048xi32>
    %convert_element_type3A_697 = arith.sitofp %add3A_696 : vector<1x2048xi32> to vector<1x2048xbf16>
    %add3A_698 = arith.constant 32 : i32
    %add3A_699 = vector.broadcast %add3A_698 : i32 to vector<1x2048xi32>
    %add3A_700 = arith.addi %min3A_692, %add3A_699 : vector<1x2048xi32>
    %convert_element_type3A_701 = arith.sitofp %add3A_700 : vector<1x2048xi32> to vector<1x2048xbf16>
    %add3A_702 = arith.constant 42 : i32
    %add3A_703 = vector.broadcast %add3A_702 : i32 to vector<1x2048xi32>
    %add3A_704 = arith.addi %get3A_630, %add3A_703 : vector<1x2048xi32>
    %convert_element_type3A_705 = arith.sitofp %add3A_704 : vector<1x2048xi32> to vector<1x2048xbf16>
    %slice3A_706 = vector.extract_strided_slice %convert_element_type3A_11 {offsets = [0, 0], sizes = [16, 2048], strides = [1, 1]} : vector<64x2048xbf16> to vector<16x2048xbf16>
    %slice3A_707 = vector.extract_strided_slice %convert_element_type3A_11 {offsets = [16, 0], sizes = [16, 2048], strides = [1, 1]} : vector<64x2048xbf16> to vector<16x2048xbf16>
    %slice3A_708 = vector.extract_strided_slice %convert_element_type3A_11 {offsets = [32, 0], sizes = [16, 2048], strides = [1, 1]} : vector<64x2048xbf16> to vector<16x2048xbf16>
    %slice3A_709 = vector.extract_strided_slice %convert_element_type3A_11 {offsets = [48, 0], sizes = [16, 2048], strides = [1, 1]} : vector<64x2048xbf16> to vector<16x2048xbf16>
    %eq3A_710 = vector.broadcast %convert_element_type3A_693 : vector<1x2048xbf16> to vector<16x2048xbf16>
    %eq3A_711 = arith.cmpf oeq, %slice3A_706, %eq3A_710 : vector<16x2048xbf16>
    %eq3A_712 = arith.constant 7.000000e+00 : bf16
    %eq3A_713 = vector.broadcast %eq3A_712 : bf16 to vector<16x2048xbf16>
    %eq3A_714 = arith.cmpf oeq, %slice3A_706, %eq3A_713 : vector<16x2048xbf16>
    %or3A_715 = arith.ori %eq3A_711, %eq3A_714 : vector<16x2048xi1>
    %eq3A_716 = vector.broadcast %convert_element_type3A_697 : vector<1x2048xbf16> to vector<16x2048xbf16>
    %eq3A_717 = arith.cmpf oeq, %slice3A_706, %eq3A_716 : vector<16x2048xbf16>
    %or3A_718 = arith.ori %or3A_715, %eq3A_717 : vector<16x2048xi1>
    %convert_element_type3A_719 = arith.extui %or3A_718 : vector<16x2048xi1> to vector<16x2048xi32>
    %convert_element_type3A_720 = arith.sitofp %convert_element_type3A_719 : vector<16x2048xi32> to vector<16x2048xf32>
    %convert_element_type3A_721 = arith.truncf %convert_element_type3A_720 : vector<16x2048xf32> to vector<16x2048xbf16>
    %eq3A_722 = vector.broadcast %convert_element_type3A_697 : vector<1x2048xbf16> to vector<16x2048xbf16>
    %eq3A_723 = arith.cmpf oeq, %slice3A_707, %eq3A_722 : vector<16x2048xbf16>
    %convert_element_type3A_724 = arith.extui %eq3A_723 : vector<16x2048xi1> to vector<16x2048xi32>
    %convert_element_type3A_725 = arith.sitofp %convert_element_type3A_724 : vector<16x2048xi32> to vector<16x2048xf32>
    %convert_element_type3A_726 = arith.truncf %convert_element_type3A_725 : vector<16x2048xf32> to vector<16x2048xbf16>
    %eq3A_727 = vector.broadcast %convert_element_type3A_701 : vector<1x2048xbf16> to vector<16x2048xbf16>
    %eq3A_728 = arith.cmpf oeq, %slice3A_708, %eq3A_727 : vector<16x2048xbf16>
    %eq3A_729 = vector.broadcast %convert_element_type3A_705 : vector<1x2048xbf16> to vector<16x2048xbf16>
    %eq3A_730 = arith.cmpf oeq, %slice3A_708, %eq3A_729 : vector<16x2048xbf16>
    %or3A_731 = arith.ori %eq3A_728, %eq3A_730 : vector<16x2048xi1>
    %convert_element_type3A_732 = arith.extui %or3A_731 : vector<16x2048xi1> to vector<16x2048xi32>
    %convert_element_type3A_733 = arith.sitofp %convert_element_type3A_732 : vector<16x2048xi32> to vector<16x2048xf32>
    %convert_element_type3A_734 = arith.truncf %convert_element_type3A_733 : vector<16x2048xf32> to vector<16x2048xbf16>
    %eq3A_735 = vector.broadcast %convert_element_type3A_705 : vector<1x2048xbf16> to vector<16x2048xbf16>
    %eq3A_736 = arith.cmpf oeq, %slice3A_709, %eq3A_735 : vector<16x2048xbf16>
    %eq3A_737 = arith.constant 5.000000e+01 : bf16
    %eq3A_738 = vector.broadcast %eq3A_737 : bf16 to vector<16x2048xbf16>
    %eq3A_739 = arith.cmpf oeq, %slice3A_709, %eq3A_738 : vector<16x2048xbf16>
    %eq3A_740 = arith.constant 5.100000e+01 : bf16
    %eq3A_741 = vector.broadcast %eq3A_740 : bf16 to vector<16x2048xbf16>
    %eq3A_742 = arith.cmpf oeq, %slice3A_709, %eq3A_741 : vector<16x2048xbf16>
    %jit3A_743 = arith.constant 0.000000e+00 : bf16
    %broadcast_in_dim3A_744 = vector.shape_cast %convert_element_type3A_675 : vector<1x2048xbf16> to vector<1x2048xbf16>
    %broadcast_in_dim3A_745 = vector.broadcast %broadcast_in_dim3A_744 : vector<1x2048xbf16> to vector<16x2048xbf16>
    %broadcast_in_dim3A_746 = vector.broadcast %jit3A_743 : bf16 to vector<16x2048xbf16>
    %select_n3A_747 = arith.select %eq3A_742, %broadcast_in_dim3A_745, %broadcast_in_dim3A_746 : vector<16x2048xi1>, vector<16x2048xbf16>
    %broadcast_in_dim3A_748 = vector.shape_cast %convert_element_type3A_673 : vector<1x2048xbf16> to vector<1x2048xbf16>
    %broadcast_in_dim3A_749 = vector.broadcast %broadcast_in_dim3A_748 : vector<1x2048xbf16> to vector<16x2048xbf16>
    %select_n3A_750 = arith.select %eq3A_739, %broadcast_in_dim3A_749, %select_n3A_747 : vector<16x2048xi1>, vector<16x2048xbf16>
    %jit3A_751 = arith.constant 1.000000e+00 : bf16
    %broadcast_in_dim3A_752 = vector.broadcast %jit3A_751 : bf16 to vector<16x2048xbf16>
    %select_n3A_753 = arith.select %eq3A_736, %broadcast_in_dim3A_752, %select_n3A_750 : vector<16x2048xi1>, vector<16x2048xbf16>
    %concatenate3A_754 = tpu.concatenate %convert_element_type3A_721, %convert_element_type3A_726, %convert_element_type3A_734, %select_n3A_753 in 0 : vector<16x2048xbf16>, vector<16x2048xbf16>, vector<16x2048xbf16>, vector<16x2048xbf16> -> vector<64x2048xbf16>
    %dot_general3A_755 = arith.constant dense<0.000000e+00> : vector<64x2048xf32>
    %dot_general3A_756 = tpu.matmul %convert_element_type3A, %concatenate3A_754, %dot_general3A_755 {dimension_numbers = #tpu.dot_dimension_numbers<[1], [0], [0], [1], [0, 0, 1, 1], [], []>, transpose_lhs_hint = false} : vector<64x64xbf16>, vector<64x2048xbf16>, vector<64x2048xf32> -> vector<64x2048xf32>
    %mul3A_757 = arith.mulf %dot_general3A_756, %dot_general3A_756 : vector<64x2048xf32>
    %reduce_sum3A_758 = arith.constant dense<0.000000e+00> : vector<2048xf32>
    %reduce_sum3A_759 = vector.multi_reduction <add>, %mul3A_757, %reduce_sum3A_758 [0] : vector<64x2048xf32> to vector<2048xf32>
    %broadcast_in_dim3A_760 = vector.shape_cast %reduce_sum3A_759 : vector<2048xf32> to vector<1x2048xf32>
    %mul3A_761 = arith.constant 1.562500e-02 : f32
    %mul3A_762 = vector.broadcast %mul3A_761 : f32 to vector<1x2048xf32>
    %mul3A_763 = arith.mulf %broadcast_in_dim3A_760, %mul3A_762 : vector<1x2048xf32>
    %add3A_764 = arith.constant 9.99999974E-6 : f32
    %add3A_765 = vector.broadcast %add3A_764 : f32 to vector<1x2048xf32>
    %add3A_766 = arith.addf %mul3A_763, %add3A_765 : vector<1x2048xf32>
    %rsqrt3A_767 = math.rsqrt %add3A_766 : vector<1x2048xf32>
    %mul3A_768 = vector.broadcast %rsqrt3A_767 : vector<1x2048xf32> to vector<64x2048xf32>
    %mul3A_769 = arith.mulf %dot_general3A_756, %mul3A_768 : vector<64x2048xf32>
    %add3A_770 = vector.broadcast %get3A_7 : vector<64x1xf32> to vector<64x2048xf32>
    %add3A_771 = arith.addf %mul3A_769, %add3A_770 : vector<64x2048xf32>
    %dot_general3A_772 = arith.constant dense<0.000000e+00> : vector<2048x64xf32>
    %dot_general3A_773 = tpu.matmul %add3A_771, %get3A_4, %dot_general3A_772 {dimension_numbers = #tpu.dot_dimension_numbers<[0], [0], [1], [1], [0, 1, 1, 1], [], []>, transpose_lhs_hint = false} : vector<64x2048xf32>, vector<64x64xf32>, vector<2048x64xf32> -> vector<2048x64xf32>
    %swap3A_774 = arith.constant 8192 : index
    %swap3A_775 = arith.constant 0 : index
    %swap3A_776 = vector.load %arg9[%swap3A_774, %swap3A_775] : memref<16384x64xf32, #tpu.memory_space<vmem>>, vector<2048x64xf32>
    tpu.vector_store %arg9[%swap3A_774, %swap3A_775], %dot_general3A_773 {strides = array<i32>} : memref<16384x64xf32, #tpu.memory_space<vmem>>, vector<2048x64xf32>,
    %get3A_777 = arith.constant 5 : index
    %get3A_778 = arith.constant 0 : index
    %get3A_779 = vector.load %arg1[%get3A_777, %get3A_778] : memref<8x2048xi32, #tpu.memory_space<vmem>>, vector<1x2048xi32>
    %get3A_780 = arith.constant 5 : index
    %get3A_781 = arith.constant 0 : index
    %get3A_782 = vector.load %arg2[%get3A_780, %get3A_781] : memref<8x2048xi32, #tpu.memory_space<vmem>>, vector<1x2048xi32>
    %get3A_783 = arith.constant 5 : index
    %get3A_784 = arith.constant 0 : index
    %get3A_785 = vector.load %arg3[%get3A_783, %get3A_784] : memref<8x2048xf32, #tpu.memory_space<vmem>>, vector<1x2048xf32>
    %get3A_786 = arith.constant 5 : index
    %get3A_787 = arith.constant 0 : index
    %get3A_788 = vector.load %arg4[%get3A_786, %get3A_787] : memref<8x2048xi32, #tpu.memory_space<vmem>>, vector<1x2048xi32>
    %jit3A_789 = arith.constant 60 : i32
    %div3A_790 = vector.broadcast %jit3A_789 : i32 to vector<1x2048xi32>
    %div3A_791 = arith.divsi %get3A_782, %div3A_790 : vector<1x2048xi32>
    %sign3A_792 = arith.constant 0 : i32
    %sign3A_793 = vector.broadcast %sign3A_792 : i32 to vector<1x2048xi32>
    %sign3A_794 = arith.cmpi sgt, %get3A_782, %sign3A_793 : vector<1x2048xi32>
    %sign3A_795 = arith.extui %sign3A_794 : vector<1x2048xi1> to vector<1x2048xi32>
    %sign3A_796 = arith.constant 0 : i32
    %sign3A_797 = vector.broadcast %sign3A_796 : i32 to vector<1x2048xi32>
    %sign3A_798 = arith.cmpi slt, %get3A_782, %sign3A_797 : vector<1x2048xi32>
    %sign3A_799 = arith.extui %sign3A_798 : vector<1x2048xi1> to vector<1x2048xi32>
    %sign3A_800 = arith.subi %sign3A_795, %sign3A_799 : vector<1x2048xi32>
    %sign3A_801 = arith.constant 0 : i32
    %sign3A_802 = arith.cmpi sgt, %jit3A_789, %sign3A_801 : i32
    %sign3A_803 = arith.extui %sign3A_802 : i1 to i32
    %sign3A_804 = arith.constant 0 : i32
    %sign3A_805 = arith.cmpi slt, %jit3A_789, %sign3A_804 : i32
    %sign3A_806 = arith.extui %sign3A_805 : i1 to i32
    %sign3A_807 = arith.subi %sign3A_803, %sign3A_806 : i32
    %ne3A_808 = vector.broadcast %sign3A_807 : i32 to vector<1x2048xi32>
    %ne3A_809 = arith.cmpi ne, %sign3A_800, %ne3A_808 : vector<1x2048xi32>
    %rem3A_810 = vector.broadcast %jit3A_789 : i32 to vector<1x2048xi32>
    %rem3A_811 = arith.remsi %get3A_782, %rem3A_810 : vector<1x2048xi32>
    %ne3A_812 = arith.constant 0 : i32
    %ne3A_813 = vector.broadcast %ne3A_812 : i32 to vector<1x2048xi32>
    %ne3A_814 = arith.cmpi ne, %rem3A_811, %ne3A_813 : vector<1x2048xi32>
    %and3A_815 = arith.andi %ne3A_809, %ne3A_814 : vector<1x2048xi1>
    %sub3A_816 = arith.constant 1 : i32
    %sub3A_817 = vector.broadcast %sub3A_816 : i32 to vector<1x2048xi32>
    %sub3A_818 = arith.subi %div3A_791, %sub3A_817 : vector<1x2048xi32>
    %select_n3A_819 = arith.select %and3A_815, %sub3A_818, %div3A_791 : vector<1x2048xi1>, vector<1x2048xi32>
    %jit3A_820 = arith.constant 0 : i32
    %jit3A_821 = arith.constant 23 : i32
    %max3A_822 = vector.broadcast %jit3A_820 : i32 to vector<1x2048xi32>
    %max3A_823 = arith.maxsi %max3A_822, %select_n3A_819 : vector<1x2048xi32>
    %min3A_824 = vector.broadcast %jit3A_821 : i32 to vector<1x2048xi32>
    %min3A_825 = arith.minsi %min3A_824, %max3A_823 : vector<1x2048xi32>
    %convert_element_type3A_826 = arith.sitofp %get3A_782 : vector<1x2048xi32> to vector<1x2048xf32>
    %mul3A_827 = arith.constant 0.0043633231 : f32
    %mul3A_828 = vector.broadcast %mul3A_827 : f32 to vector<1x2048xf32>
    %mul3A_829 = arith.mulf %convert_element_type3A_826, %mul3A_828 : vector<1x2048xf32>
    %sin3A_830 = math.sin %mul3A_829 : vector<1x2048xf32>
    %convert_element_type3A_831 = arith.truncf %sin3A_830 : vector<1x2048xf32> to vector<1x2048xbf16>
    %cos3A_832 = math.cos %mul3A_829 : vector<1x2048xf32>
    %convert_element_type3A_833 = arith.truncf %cos3A_832 : vector<1x2048xf32> to vector<1x2048xbf16>
    %log1p3A_834 = math.log1p %get3A_785 : vector<1x2048xf32>
    %lt3A_835 = vector.broadcast %get3A_10 : vector<16x1xf32> to vector<16x2048xf32>
    %lt3A_836 = vector.broadcast %log1p3A_834 : vector<1x2048xf32> to vector<16x2048xf32>
    %lt3A_837 = arith.cmpf olt, %lt3A_835, %lt3A_836 : vector<16x2048xf32>
    %convert_element_type3A_838 = arith.extui %lt3A_837 : vector<16x2048xi1> to vector<16x2048xi32>
    %reduce_sum3A_839 = arith.constant dense<0> : vector<2048xi32>
    %reduce_sum3A_840 = vector.multi_reduction <add>, %convert_element_type3A_838, %reduce_sum3A_839 [0] : vector<16x2048xi32> to vector<2048xi32>
    %broadcast_in_dim3A_841 = vector.shape_cast %reduce_sum3A_840 : vector<2048xi32> to vector<1x2048xi32>
    %sub3A_842 = arith.constant 1 : i32
    %sub3A_843 = vector.broadcast %sub3A_842 : i32 to vector<1x2048xi32>
    %sub3A_844 = arith.subi %broadcast_in_dim3A_841, %sub3A_843 : vector<1x2048xi32>
    %jit3A_845 = arith.constant 0 : i32
    %jit3A_846 = arith.constant 9 : i32
    %max3A_847 = vector.broadcast %jit3A_845 : i32 to vector<1x2048xi32>
    %max3A_848 = arith.maxsi %max3A_847, %sub3A_844 : vector<1x2048xi32>
    %min3A_849 = vector.broadcast %jit3A_846 : i32 to vector<1x2048xi32>
    %min3A_850 = arith.minsi %min3A_849, %max3A_848 : vector<1x2048xi32>
    %convert_element_type3A_851 = arith.sitofp %get3A_779 : vector<1x2048xi32> to vector<1x2048xbf16>
    %add3A_852 = arith.constant 8 : i32
    %add3A_853 = vector.broadcast %add3A_852 : i32 to vector<1x2048xi32>
    %add3A_854 = arith.addi %min3A_825, %add3A_853 : vector<1x2048xi32>
    %convert_element_type3A_855 = arith.sitofp %add3A_854 : vector<1x2048xi32> to vector<1x2048xbf16>
    %add3A_856 = arith.constant 32 : i32
    %add3A_857 = vector.broadcast %add3A_856 : i32 to vector<1x2048xi32>
    %add3A_858 = arith.addi %min3A_850, %add3A_857 : vector<1x2048xi32>
    %convert_element_type3A_859 = arith.sitofp %add3A_858 : vector<1x2048xi32> to vector<1x2048xbf16>
    %add3A_860 = arith.constant 42 : i32
    %add3A_861 = vector.broadcast %add3A_860 : i32 to vector<1x2048xi32>
    %add3A_862 = arith.addi %get3A_788, %add3A_861 : vector<1x2048xi32>
    %convert_element_type3A_863 = arith.sitofp %add3A_862 : vector<1x2048xi32> to vector<1x2048xbf16>
    %slice3A_864 = vector.extract_strided_slice %convert_element_type3A_11 {offsets = [0, 0], sizes = [16, 2048], strides = [1, 1]} : vector<64x2048xbf16> to vector<16x2048xbf16>
    %slice3A_865 = vector.extract_strided_slice %convert_element_type3A_11 {offsets = [16, 0], sizes = [16, 2048], strides = [1, 1]} : vector<64x2048xbf16> to vector<16x2048xbf16>
    %slice3A_866 = vector.extract_strided_slice %convert_element_type3A_11 {offsets = [32, 0], sizes = [16, 2048], strides = [1, 1]} : vector<64x2048xbf16> to vector<16x2048xbf16>
    %slice3A_867 = vector.extract_strided_slice %convert_element_type3A_11 {offsets = [48, 0], sizes = [16, 2048], strides = [1, 1]} : vector<64x2048xbf16> to vector<16x2048xbf16>
    %eq3A_868 = vector.broadcast %convert_element_type3A_851 : vector<1x2048xbf16> to vector<16x2048xbf16>
    %eq3A_869 = arith.cmpf oeq, %slice3A_864, %eq3A_868 : vector<16x2048xbf16>
    %eq3A_870 = arith.constant 7.000000e+00 : bf16
    %eq3A_871 = vector.broadcast %eq3A_870 : bf16 to vector<16x2048xbf16>
    %eq3A_872 = arith.cmpf oeq, %slice3A_864, %eq3A_871 : vector<16x2048xbf16>
    %or3A_873 = arith.ori %eq3A_869, %eq3A_872 : vector<16x2048xi1>
    %eq3A_874 = vector.broadcast %convert_element_type3A_855 : vector<1x2048xbf16> to vector<16x2048xbf16>
    %eq3A_875 = arith.cmpf oeq, %slice3A_864, %eq3A_874 : vector<16x2048xbf16>
    %or3A_876 = arith.ori %or3A_873, %eq3A_875 : vector<16x2048xi1>
    %convert_element_type3A_877 = arith.extui %or3A_876 : vector<16x2048xi1> to vector<16x2048xi32>
    %convert_element_type3A_878 = arith.sitofp %convert_element_type3A_877 : vector<16x2048xi32> to vector<16x2048xf32>
    %convert_element_type3A_879 = arith.truncf %convert_element_type3A_878 : vector<16x2048xf32> to vector<16x2048xbf16>
    %eq3A_880 = vector.broadcast %convert_element_type3A_855 : vector<1x2048xbf16> to vector<16x2048xbf16>
    %eq3A_881 = arith.cmpf oeq, %slice3A_865, %eq3A_880 : vector<16x2048xbf16>
    %convert_element_type3A_882 = arith.extui %eq3A_881 : vector<16x2048xi1> to vector<16x2048xi32>
    %convert_element_type3A_883 = arith.sitofp %convert_element_type3A_882 : vector<16x2048xi32> to vector<16x2048xf32>
    %convert_element_type3A_884 = arith.truncf %convert_element_type3A_883 : vector<16x2048xf32> to vector<16x2048xbf16>
    %eq3A_885 = vector.broadcast %convert_element_type3A_859 : vector<1x2048xbf16> to vector<16x2048xbf16>
    %eq3A_886 = arith.cmpf oeq, %slice3A_866, %eq3A_885 : vector<16x2048xbf16>
    %eq3A_887 = vector.broadcast %convert_element_type3A_863 : vector<1x2048xbf16> to vector<16x2048xbf16>
    %eq3A_888 = arith.cmpf oeq, %slice3A_866, %eq3A_887 : vector<16x2048xbf16>
    %or3A_889 = arith.ori %eq3A_886, %eq3A_888 : vector<16x2048xi1>
    %convert_element_type3A_890 = arith.extui %or3A_889 : vector<16x2048xi1> to vector<16x2048xi32>
    %convert_element_type3A_891 = arith.sitofp %convert_element_type3A_890 : vector<16x2048xi32> to vector<16x2048xf32>
    %convert_element_type3A_892 = arith.truncf %convert_element_type3A_891 : vector<16x2048xf32> to vector<16x2048xbf16>
    %eq3A_893 = vector.broadcast %convert_element_type3A_863 : vector<1x2048xbf16> to vector<16x2048xbf16>
    %eq3A_894 = arith.cmpf oeq, %slice3A_867, %eq3A_893 : vector<16x2048xbf16>
    %eq3A_895 = arith.constant 5.000000e+01 : bf16
    %eq3A_896 = vector.broadcast %eq3A_895 : bf16 to vector<16x2048xbf16>
    %eq3A_897 = arith.cmpf oeq, %slice3A_867, %eq3A_896 : vector<16x2048xbf16>
    %eq3A_898 = arith.constant 5.100000e+01 : bf16
    %eq3A_899 = vector.broadcast %eq3A_898 : bf16 to vector<16x2048xbf16>
    %eq3A_900 = arith.cmpf oeq, %slice3A_867, %eq3A_899 : vector<16x2048xbf16>
    %jit3A_901 = arith.constant 0.000000e+00 : bf16
    %broadcast_in_dim3A_902 = vector.shape_cast %convert_element_type3A_833 : vector<1x2048xbf16> to vector<1x2048xbf16>
    %broadcast_in_dim3A_903 = vector.broadcast %broadcast_in_dim3A_902 : vector<1x2048xbf16> to vector<16x2048xbf16>
    %broadcast_in_dim3A_904 = vector.broadcast %jit3A_901 : bf16 to vector<16x2048xbf16>
    %select_n3A_905 = arith.select %eq3A_900, %broadcast_in_dim3A_903, %broadcast_in_dim3A_904 : vector<16x2048xi1>, vector<16x2048xbf16>
    %broadcast_in_dim3A_906 = vector.shape_cast %convert_element_type3A_831 : vector<1x2048xbf16> to vector<1x2048xbf16>
    %broadcast_in_dim3A_907 = vector.broadcast %broadcast_in_dim3A_906 : vector<1x2048xbf16> to vector<16x2048xbf16>
    %select_n3A_908 = arith.select %eq3A_897, %broadcast_in_dim3A_907, %select_n3A_905 : vector<16x2048xi1>, vector<16x2048xbf16>
    %jit3A_909 = arith.constant 1.000000e+00 : bf16
    %broadcast_in_dim3A_910 = vector.broadcast %jit3A_909 : bf16 to vector<16x2048xbf16>
    %select_n3A_911 = arith.select %eq3A_894, %broadcast_in_dim3A_910, %select_n3A_908 : vector<16x2048xi1>, vector<16x2048xbf16>
    %concatenate3A_912 = tpu.concatenate %convert_element_type3A_879, %convert_element_type3A_884, %convert_element_type3A_892, %select_n3A_911 in 0 : vector<16x2048xbf16>, vector<16x2048xbf16>, vector<16x2048xbf16>, vector<16x2048xbf16> -> vector<64x2048xbf16>
    %dot_general3A_913 = arith.constant dense<0.000000e+00> : vector<64x2048xf32>
    %dot_general3A_914 = tpu.matmul %convert_element_type3A, %concatenate3A_912, %dot_general3A_913 {dimension_numbers = #tpu.dot_dimension_numbers<[1], [0], [0], [1], [0, 0, 1, 1], [], []>, transpose_lhs_hint = false} : vector<64x64xbf16>, vector<64x2048xbf16>, vector<64x2048xf32> -> vector<64x2048xf32>
    %mul3A_915 = arith.mulf %dot_general3A_914, %dot_general3A_914 : vector<64x2048xf32>
    %reduce_sum3A_916 = arith.constant dense<0.000000e+00> : vector<2048xf32>
    %reduce_sum3A_917 = vector.multi_reduction <add>, %mul3A_915, %reduce_sum3A_916 [0] : vector<64x2048xf32> to vector<2048xf32>
    %broadcast_in_dim3A_918 = vector.shape_cast %reduce_sum3A_917 : vector<2048xf32> to vector<1x2048xf32>
    %mul3A_919 = arith.constant 1.562500e-02 : f32
    %mul3A_920 = vector.broadcast %mul3A_919 : f32 to vector<1x2048xf32>
    %mul3A_921 = arith.mulf %broadcast_in_dim3A_918, %mul3A_920 : vector<1x2048xf32>
    %add3A_922 = arith.constant 9.99999974E-6 : f32
    %add3A_923 = vector.broadcast %add3A_922 : f32 to vector<1x2048xf32>
    %add3A_924 = arith.addf %mul3A_921, %add3A_923 : vector<1x2048xf32>
    %rsqrt3A_925 = math.rsqrt %add3A_924 : vector<1x2048xf32>
    %mul3A_926 = vector.broadcast %rsqrt3A_925 : vector<1x2048xf32> to vector<64x2048xf32>
    %mul3A_927 = arith.mulf %dot_general3A_914, %mul3A_926 : vector<64x2048xf32>
    %add3A_928 = vector.broadcast %get3A_7 : vector<64x1xf32> to vector<64x2048xf32>
    %add3A_929 = arith.addf %mul3A_927, %add3A_928 : vector<64x2048xf32>
    %dot_general3A_930 = arith.constant dense<0.000000e+00> : vector<2048x64xf32>
    %dot_general3A_931 = tpu.matmul %add3A_929, %get3A_4, %dot_general3A_930 {dimension_numbers = #tpu.dot_dimension_numbers<[0], [0], [1], [1], [0, 1, 1, 1], [], []>, transpose_lhs_hint = false} : vector<64x2048xf32>, vector<64x64xf32>, vector<2048x64xf32> -> vector<2048x64xf32>
    %swap3A_932 = arith.constant 10240 : index
    %swap3A_933 = arith.constant 0 : index
    %swap3A_934 = vector.load %arg9[%swap3A_932, %swap3A_933] : memref<16384x64xf32, #tpu.memory_space<vmem>>, vector<2048x64xf32>
    tpu.vector_store %arg9[%swap3A_932, %swap3A_933], %dot_general3A_931 {strides = array<i32>} : memref<16384x64xf32, #tpu.memory_space<vmem>>, vector<2048x64xf32>,
    %get3A_935 = arith.constant 6 : index
    %get3A_936 = arith.constant 0 : index
    %get3A_937 = vector.load %arg1[%get3A_935, %get3A_936] : memref<8x2048xi32, #tpu.memory_space<vmem>>, vector<1x2048xi32>
    %get3A_938 = arith.constant 6 : index
    %get3A_939 = arith.constant 0 : index
    %get3A_940 = vector.load %arg2[%get3A_938, %get3A_939] : memref<8x2048xi32, #tpu.memory_space<vmem>>, vector<1x2048xi32>
    %get3A_941 = arith.constant 6 : index
    %get3A_942 = arith.constant 0 : index
    %get3A_943 = vector.load %arg3[%get3A_941, %get3A_942] : memref<8x2048xf32, #tpu.memory_space<vmem>>, vector<1x2048xf32>
    %get3A_944 = arith.constant 6 : index
    %get3A_945 = arith.constant 0 : index
    %get3A_946 = vector.load %arg4[%get3A_944, %get3A_945] : memref<8x2048xi32, #tpu.memory_space<vmem>>, vector<1x2048xi32>
    %jit3A_947 = arith.constant 60 : i32
    %div3A_948 = vector.broadcast %jit3A_947 : i32 to vector<1x2048xi32>
    %div3A_949 = arith.divsi %get3A_940, %div3A_948 : vector<1x2048xi32>
    %sign3A_950 = arith.constant 0 : i32
    %sign3A_951 = vector.broadcast %sign3A_950 : i32 to vector<1x2048xi32>
    %sign3A_952 = arith.cmpi sgt, %get3A_940, %sign3A_951 : vector<1x2048xi32>
    %sign3A_953 = arith.extui %sign3A_952 : vector<1x2048xi1> to vector<1x2048xi32>
    %sign3A_954 = arith.constant 0 : i32
    %sign3A_955 = vector.broadcast %sign3A_954 : i32 to vector<1x2048xi32>
    %sign3A_956 = arith.cmpi slt, %get3A_940, %sign3A_955 : vector<1x2048xi32>
    %sign3A_957 = arith.extui %sign3A_956 : vector<1x2048xi1> to vector<1x2048xi32>
    %sign3A_958 = arith.subi %sign3A_953, %sign3A_957 : vector<1x2048xi32>
    %sign3A_959 = arith.constant 0 : i32
    %sign3A_960 = arith.cmpi sgt, %jit3A_947, %sign3A_959 : i32
    %sign3A_961 = arith.extui %sign3A_960 : i1 to i32
    %sign3A_962 = arith.constant 0 : i32
    %sign3A_963 = arith.cmpi slt, %jit3A_947, %sign3A_962 : i32
    %sign3A_964 = arith.extui %sign3A_963 : i1 to i32
    %sign3A_965 = arith.subi %sign3A_961, %sign3A_964 : i32
    %ne3A_966 = vector.broadcast %sign3A_965 : i32 to vector<1x2048xi32>
    %ne3A_967 = arith.cmpi ne, %sign3A_958, %ne3A_966 : vector<1x2048xi32>
    %rem3A_968 = vector.broadcast %jit3A_947 : i32 to vector<1x2048xi32>
    %rem3A_969 = arith.remsi %get3A_940, %rem3A_968 : vector<1x2048xi32>
    %ne3A_970 = arith.constant 0 : i32
    %ne3A_971 = vector.broadcast %ne3A_970 : i32 to vector<1x2048xi32>
    %ne3A_972 = arith.cmpi ne, %rem3A_969, %ne3A_971 : vector<1x2048xi32>
    %and3A_973 = arith.andi %ne3A_967, %ne3A_972 : vector<1x2048xi1>
    %sub3A_974 = arith.constant 1 : i32
    %sub3A_975 = vector.broadcast %sub3A_974 : i32 to vector<1x2048xi32>
    %sub3A_976 = arith.subi %div3A_949, %sub3A_975 : vector<1x2048xi32>
    %select_n3A_977 = arith.select %and3A_973, %sub3A_976, %div3A_949 : vector<1x2048xi1>, vector<1x2048xi32>
    %jit3A_978 = arith.constant 0 : i32
    %jit3A_979 = arith.constant 23 : i32
    %max3A_980 = vector.broadcast %jit3A_978 : i32 to vector<1x2048xi32>
    %max3A_981 = arith.maxsi %max3A_980, %select_n3A_977 : vector<1x2048xi32>
    %min3A_982 = vector.broadcast %jit3A_979 : i32 to vector<1x2048xi32>
    %min3A_983 = arith.minsi %min3A_982, %max3A_981 : vector<1x2048xi32>
    %convert_element_type3A_984 = arith.sitofp %get3A_940 : vector<1x2048xi32> to vector<1x2048xf32>
    %mul3A_985 = arith.constant 0.0043633231 : f32
    %mul3A_986 = vector.broadcast %mul3A_985 : f32 to vector<1x2048xf32>
    %mul3A_987 = arith.mulf %convert_element_type3A_984, %mul3A_986 : vector<1x2048xf32>
    %sin3A_988 = math.sin %mul3A_987 : vector<1x2048xf32>
    %convert_element_type3A_989 = arith.truncf %sin3A_988 : vector<1x2048xf32> to vector<1x2048xbf16>
    %cos3A_990 = math.cos %mul3A_987 : vector<1x2048xf32>
    %convert_element_type3A_991 = arith.truncf %cos3A_990 : vector<1x2048xf32> to vector<1x2048xbf16>
    %log1p3A_992 = math.log1p %get3A_943 : vector<1x2048xf32>
    %lt3A_993 = vector.broadcast %get3A_10 : vector<16x1xf32> to vector<16x2048xf32>
    %lt3A_994 = vector.broadcast %log1p3A_992 : vector<1x2048xf32> to vector<16x2048xf32>
    %lt3A_995 = arith.cmpf olt, %lt3A_993, %lt3A_994 : vector<16x2048xf32>
    %convert_element_type3A_996 = arith.extui %lt3A_995 : vector<16x2048xi1> to vector<16x2048xi32>
    %reduce_sum3A_997 = arith.constant dense<0> : vector<2048xi32>
    %reduce_sum3A_998 = vector.multi_reduction <add>, %convert_element_type3A_996, %reduce_sum3A_997 [0] : vector<16x2048xi32> to vector<2048xi32>
    %broadcast_in_dim3A_999 = vector.shape_cast %reduce_sum3A_998 : vector<2048xi32> to vector<1x2048xi32>
    %sub3A_1000 = arith.constant 1 : i32
    %sub3A_1001 = vector.broadcast %sub3A_1000 : i32 to vector<1x2048xi32>
    %sub3A_1002 = arith.subi %broadcast_in_dim3A_999, %sub3A_1001 : vector<1x2048xi32>
    %jit3A_1003 = arith.constant 0 : i32
    %jit3A_1004 = arith.constant 9 : i32
    %max3A_1005 = vector.broadcast %jit3A_1003 : i32 to vector<1x2048xi32>
    %max3A_1006 = arith.maxsi %max3A_1005, %sub3A_1002 : vector<1x2048xi32>
    %min3A_1007 = vector.broadcast %jit3A_1004 : i32 to vector<1x2048xi32>
    %min3A_1008 = arith.minsi %min3A_1007, %max3A_1006 : vector<1x2048xi32>
    %convert_element_type3A_1009 = arith.sitofp %get3A_937 : vector<1x2048xi32> to vector<1x2048xbf16>
    %add3A_1010 = arith.constant 8 : i32
    %add3A_1011 = vector.broadcast %add3A_1010 : i32 to vector<1x2048xi32>
    %add3A_1012 = arith.addi %min3A_983, %add3A_1011 : vector<1x2048xi32>
    %convert_element_type3A_1013 = arith.sitofp %add3A_1012 : vector<1x2048xi32> to vector<1x2048xbf16>
    %add3A_1014 = arith.constant 32 : i32
    %add3A_1015 = vector.broadcast %add3A_1014 : i32 to vector<1x2048xi32>
    %add3A_1016 = arith.addi %min3A_1008, %add3A_1015 : vector<1x2048xi32>
    %convert_element_type3A_1017 = arith.sitofp %add3A_1016 : vector<1x2048xi32> to vector<1x2048xbf16>
    %add3A_1018 = arith.constant 42 : i32
    %add3A_1019 = vector.broadcast %add3A_1018 : i32 to vector<1x2048xi32>
    %add3A_1020 = arith.addi %get3A_946, %add3A_1019 : vector<1x2048xi32>
    %convert_element_type3A_1021 = arith.sitofp %add3A_1020 : vector<1x2048xi32> to vector<1x2048xbf16>
    %slice3A_1022 = vector.extract_strided_slice %convert_element_type3A_11 {offsets = [0, 0], sizes = [16, 2048], strides = [1, 1]} : vector<64x2048xbf16> to vector<16x2048xbf16>
    %slice3A_1023 = vector.extract_strided_slice %convert_element_type3A_11 {offsets = [16, 0], sizes = [16, 2048], strides = [1, 1]} : vector<64x2048xbf16> to vector<16x2048xbf16>
    %slice3A_1024 = vector.extract_strided_slice %convert_element_type3A_11 {offsets = [32, 0], sizes = [16, 2048], strides = [1, 1]} : vector<64x2048xbf16> to vector<16x2048xbf16>
    %slice3A_1025 = vector.extract_strided_slice %convert_element_type3A_11 {offsets = [48, 0], sizes = [16, 2048], strides = [1, 1]} : vector<64x2048xbf16> to vector<16x2048xbf16>
    %eq3A_1026 = vector.broadcast %convert_element_type3A_1009 : vector<1x2048xbf16> to vector<16x2048xbf16>
    %eq3A_1027 = arith.cmpf oeq, %slice3A_1022, %eq3A_1026 : vector<16x2048xbf16>
    %eq3A_1028 = arith.constant 7.000000e+00 : bf16
    %eq3A_1029 = vector.broadcast %eq3A_1028 : bf16 to vector<16x2048xbf16>
    %eq3A_1030 = arith.cmpf oeq, %slice3A_1022, %eq3A_1029 : vector<16x2048xbf16>
    %or3A_1031 = arith.ori %eq3A_1027, %eq3A_1030 : vector<16x2048xi1>
    %eq3A_1032 = vector.broadcast %convert_element_type3A_1013 : vector<1x2048xbf16> to vector<16x2048xbf16>
    %eq3A_1033 = arith.cmpf oeq, %slice3A_1022, %eq3A_1032 : vector<16x2048xbf16>
    %or3A_1034 = arith.ori %or3A_1031, %eq3A_1033 : vector<16x2048xi1>
    %convert_element_type3A_1035 = arith.extui %or3A_1034 : vector<16x2048xi1> to vector<16x2048xi32>
    %convert_element_type3A_1036 = arith.sitofp %convert_element_type3A_1035 : vector<16x2048xi32> to vector<16x2048xf32>
    %convert_element_type3A_1037 = arith.truncf %convert_element_type3A_1036 : vector<16x2048xf32> to vector<16x2048xbf16>
    %eq3A_1038 = vector.broadcast %convert_element_type3A_1013 : vector<1x2048xbf16> to vector<16x2048xbf16>
    %eq3A_1039 = arith.cmpf oeq, %slice3A_1023, %eq3A_1038 : vector<16x2048xbf16>
    %convert_element_type3A_1040 = arith.extui %eq3A_1039 : vector<16x2048xi1> to vector<16x2048xi32>
    %convert_element_type3A_1041 = arith.sitofp %convert_element_type3A_1040 : vector<16x2048xi32> to vector<16x2048xf32>
    %convert_element_type3A_1042 = arith.truncf %convert_element_type3A_1041 : vector<16x2048xf32> to vector<16x2048xbf16>
    %eq3A_1043 = vector.broadcast %convert_element_type3A_1017 : vector<1x2048xbf16> to vector<16x2048xbf16>
    %eq3A_1044 = arith.cmpf oeq, %slice3A_1024, %eq3A_1043 : vector<16x2048xbf16>
    %eq3A_1045 = vector.broadcast %convert_element_type3A_1021 : vector<1x2048xbf16> to vector<16x2048xbf16>
    %eq3A_1046 = arith.cmpf oeq, %slice3A_1024, %eq3A_1045 : vector<16x2048xbf16>
    %or3A_1047 = arith.ori %eq3A_1044, %eq3A_1046 : vector<16x2048xi1>
    %convert_element_type3A_1048 = arith.extui %or3A_1047 : vector<16x2048xi1> to vector<16x2048xi32>
    %convert_element_type3A_1049 = arith.sitofp %convert_element_type3A_1048 : vector<16x2048xi32> to vector<16x2048xf32>
    %convert_element_type3A_1050 = arith.truncf %convert_element_type3A_1049 : vector<16x2048xf32> to vector<16x2048xbf16>
    %eq3A_1051 = vector.broadcast %convert_element_type3A_1021 : vector<1x2048xbf16> to vector<16x2048xbf16>
    %eq3A_1052 = arith.cmpf oeq, %slice3A_1025, %eq3A_1051 : vector<16x2048xbf16>
    %eq3A_1053 = arith.constant 5.000000e+01 : bf16
    %eq3A_1054 = vector.broadcast %eq3A_1053 : bf16 to vector<16x2048xbf16>
    %eq3A_1055 = arith.cmpf oeq, %slice3A_1025, %eq3A_1054 : vector<16x2048xbf16>
    %eq3A_1056 = arith.constant 5.100000e+01 : bf16
    %eq3A_1057 = vector.broadcast %eq3A_1056 : bf16 to vector<16x2048xbf16>
    %eq3A_1058 = arith.cmpf oeq, %slice3A_1025, %eq3A_1057 : vector<16x2048xbf16>
    %jit3A_1059 = arith.constant 0.000000e+00 : bf16
    %broadcast_in_dim3A_1060 = vector.shape_cast %convert_element_type3A_991 : vector<1x2048xbf16> to vector<1x2048xbf16>
    %broadcast_in_dim3A_1061 = vector.broadcast %broadcast_in_dim3A_1060 : vector<1x2048xbf16> to vector<16x2048xbf16>
    %broadcast_in_dim3A_1062 = vector.broadcast %jit3A_1059 : bf16 to vector<16x2048xbf16>
    %select_n3A_1063 = arith.select %eq3A_1058, %broadcast_in_dim3A_1061, %broadcast_in_dim3A_1062 : vector<16x2048xi1>, vector<16x2048xbf16>
    %broadcast_in_dim3A_1064 = vector.shape_cast %convert_element_type3A_989 : vector<1x2048xbf16> to vector<1x2048xbf16>
    %broadcast_in_dim3A_1065 = vector.broadcast %broadcast_in_dim3A_1064 : vector<1x2048xbf16> to vector<16x2048xbf16>
    %select_n3A_1066 = arith.select %eq3A_1055, %broadcast_in_dim3A_1065, %select_n3A_1063 : vector<16x2048xi1>, vector<16x2048xbf16>
    %jit3A_1067 = arith.constant 1.000000e+00 : bf16
    %broadcast_in_dim3A_1068 = vector.broadcast %jit3A_1067 : bf16 to vector<16x2048xbf16>
    %select_n3A_1069 = arith.select %eq3A_1052, %broadcast_in_dim3A_1068, %select_n3A_1066 : vector<16x2048xi1>, vector<16x2048xbf16>
    %concatenate3A_1070 = tpu.concatenate %convert_element_type3A_1037, %convert_element_type3A_1042, %convert_element_type3A_1050, %select_n3A_1069 in 0 : vector<16x2048xbf16>, vector<16x2048xbf16>, vector<16x2048xbf16>, vector<16x2048xbf16> -> vector<64x2048xbf16>
    %dot_general3A_1071 = arith.constant dense<0.000000e+00> : vector<64x2048xf32>
    %dot_general3A_1072 = tpu.matmul %convert_element_type3A, %concatenate3A_1070, %dot_general3A_1071 {dimension_numbers = #tpu.dot_dimension_numbers<[1], [0], [0], [1], [0, 0, 1, 1], [], []>, transpose_lhs_hint = false} : vector<64x64xbf16>, vector<64x2048xbf16>, vector<64x2048xf32> -> vector<64x2048xf32>
    %mul3A_1073 = arith.mulf %dot_general3A_1072, %dot_general3A_1072 : vector<64x2048xf32>
    %reduce_sum3A_1074 = arith.constant dense<0.000000e+00> : vector<2048xf32>
    %reduce_sum3A_1075 = vector.multi_reduction <add>, %mul3A_1073, %reduce_sum3A_1074 [0] : vector<64x2048xf32> to vector<2048xf32>
    %broadcast_in_dim3A_1076 = vector.shape_cast %reduce_sum3A_1075 : vector<2048xf32> to vector<1x2048xf32>
    %mul3A_1077 = arith.constant 1.562500e-02 : f32
    %mul3A_1078 = vector.broadcast %mul3A_1077 : f32 to vector<1x2048xf32>
    %mul3A_1079 = arith.mulf %broadcast_in_dim3A_1076, %mul3A_1078 : vector<1x2048xf32>
    %add3A_1080 = arith.constant 9.99999974E-6 : f32
    %add3A_1081 = vector.broadcast %add3A_1080 : f32 to vector<1x2048xf32>
    %add3A_1082 = arith.addf %mul3A_1079, %add3A_1081 : vector<1x2048xf32>
    %rsqrt3A_1083 = math.rsqrt %add3A_1082 : vector<1x2048xf32>
    %mul3A_1084 = vector.broadcast %rsqrt3A_1083 : vector<1x2048xf32> to vector<64x2048xf32>
    %mul3A_1085 = arith.mulf %dot_general3A_1072, %mul3A_1084 : vector<64x2048xf32>
    %add3A_1086 = vector.broadcast %get3A_7 : vector<64x1xf32> to vector<64x2048xf32>
    %add3A_1087 = arith.addf %mul3A_1085, %add3A_1086 : vector<64x2048xf32>
    %dot_general3A_1088 = arith.constant dense<0.000000e+00> : vector<2048x64xf32>
    %dot_general3A_1089 = tpu.matmul %add3A_1087, %get3A_4, %dot_general3A_1088 {dimension_numbers = #tpu.dot_dimension_numbers<[0], [0], [1], [1], [0, 1, 1, 1], [], []>, transpose_lhs_hint = false} : vector<64x2048xf32>, vector<64x64xf32>, vector<2048x64xf32> -> vector<2048x64xf32>
    %swap3A_1090 = arith.constant 12288 : index
    %swap3A_1091 = arith.constant 0 : index
    %swap3A_1092 = vector.load %arg9[%swap3A_1090, %swap3A_1091] : memref<16384x64xf32, #tpu.memory_space<vmem>>, vector<2048x64xf32>
    tpu.vector_store %arg9[%swap3A_1090, %swap3A_1091], %dot_general3A_1089 {strides = array<i32>} : memref<16384x64xf32, #tpu.memory_space<vmem>>, vector<2048x64xf32>,
    %get3A_1093 = arith.constant 7 : index
    %get3A_1094 = arith.constant 0 : index
    %get3A_1095 = vector.load %arg1[%get3A_1093, %get3A_1094] : memref<8x2048xi32, #tpu.memory_space<vmem>>, vector<1x2048xi32>
    %get3A_1096 = arith.constant 7 : index
    %get3A_1097 = arith.constant 0 : index
    %get3A_1098 = vector.load %arg2[%get3A_1096, %get3A_1097] : memref<8x2048xi32, #tpu.memory_space<vmem>>, vector<1x2048xi32>
    %get3A_1099 = arith.constant 7 : index
    %get3A_1100 = arith.constant 0 : index
    %get3A_1101 = vector.load %arg3[%get3A_1099, %get3A_1100] : memref<8x2048xf32, #tpu.memory_space<vmem>>, vector<1x2048xf32>
    %get3A_1102 = arith.constant 7 : index
    %get3A_1103 = arith.constant 0 : index
    %get3A_1104 = vector.load %arg4[%get3A_1102, %get3A_1103] : memref<8x2048xi32, #tpu.memory_space<vmem>>, vector<1x2048xi32>
    %jit3A_1105 = arith.constant 60 : i32
    %div3A_1106 = vector.broadcast %jit3A_1105 : i32 to vector<1x2048xi32>
    %div3A_1107 = arith.divsi %get3A_1098, %div3A_1106 : vector<1x2048xi32>
    %sign3A_1108 = arith.constant 0 : i32
    %sign3A_1109 = vector.broadcast %sign3A_1108 : i32 to vector<1x2048xi32>
    %sign3A_1110 = arith.cmpi sgt, %get3A_1098, %sign3A_1109 : vector<1x2048xi32>
    %sign3A_1111 = arith.extui %sign3A_1110 : vector<1x2048xi1> to vector<1x2048xi32>
    %sign3A_1112 = arith.constant 0 : i32
    %sign3A_1113 = vector.broadcast %sign3A_1112 : i32 to vector<1x2048xi32>
    %sign3A_1114 = arith.cmpi slt, %get3A_1098, %sign3A_1113 : vector<1x2048xi32>
    %sign3A_1115 = arith.extui %sign3A_1114 : vector<1x2048xi1> to vector<1x2048xi32>
    %sign3A_1116 = arith.subi %sign3A_1111, %sign3A_1115 : vector<1x2048xi32>
    %sign3A_1117 = arith.constant 0 : i32
    %sign3A_1118 = arith.cmpi sgt, %jit3A_1105, %sign3A_1117 : i32
    %sign3A_1119 = arith.extui %sign3A_1118 : i1 to i32
    %sign3A_1120 = arith.constant 0 : i32
    %sign3A_1121 = arith.cmpi slt, %jit3A_1105, %sign3A_1120 : i32
    %sign3A_1122 = arith.extui %sign3A_1121 : i1 to i32
    %sign3A_1123 = arith.subi %sign3A_1119, %sign3A_1122 : i32
    %ne3A_1124 = vector.broadcast %sign3A_1123 : i32 to vector<1x2048xi32>
    %ne3A_1125 = arith.cmpi ne, %sign3A_1116, %ne3A_1124 : vector<1x2048xi32>
    %rem3A_1126 = vector.broadcast %jit3A_1105 : i32 to vector<1x2048xi32>
    %rem3A_1127 = arith.remsi %get3A_1098, %rem3A_1126 : vector<1x2048xi32>
    %ne3A_1128 = arith.constant 0 : i32
    %ne3A_1129 = vector.broadcast %ne3A_1128 : i32 to vector<1x2048xi32>
    %ne3A_1130 = arith.cmpi ne, %rem3A_1127, %ne3A_1129 : vector<1x2048xi32>
    %and3A_1131 = arith.andi %ne3A_1125, %ne3A_1130 : vector<1x2048xi1>
    %sub3A_1132 = arith.constant 1 : i32
    %sub3A_1133 = vector.broadcast %sub3A_1132 : i32 to vector<1x2048xi32>
    %sub3A_1134 = arith.subi %div3A_1107, %sub3A_1133 : vector<1x2048xi32>
    %select_n3A_1135 = arith.select %and3A_1131, %sub3A_1134, %div3A_1107 : vector<1x2048xi1>, vector<1x2048xi32>
    %jit3A_1136 = arith.constant 0 : i32
    %jit3A_1137 = arith.constant 23 : i32
    %max3A_1138 = vector.broadcast %jit3A_1136 : i32 to vector<1x2048xi32>
    %max3A_1139 = arith.maxsi %max3A_1138, %select_n3A_1135 : vector<1x2048xi32>
    %min3A_1140 = vector.broadcast %jit3A_1137 : i32 to vector<1x2048xi32>
    %min3A_1141 = arith.minsi %min3A_1140, %max3A_1139 : vector<1x2048xi32>
    %convert_element_type3A_1142 = arith.sitofp %get3A_1098 : vector<1x2048xi32> to vector<1x2048xf32>
    %mul3A_1143 = arith.constant 0.0043633231 : f32
    %mul3A_1144 = vector.broadcast %mul3A_1143 : f32 to vector<1x2048xf32>
    %mul3A_1145 = arith.mulf %convert_element_type3A_1142, %mul3A_1144 : vector<1x2048xf32>
    %sin3A_1146 = math.sin %mul3A_1145 : vector<1x2048xf32>
    %convert_element_type3A_1147 = arith.truncf %sin3A_1146 : vector<1x2048xf32> to vector<1x2048xbf16>
    %cos3A_1148 = math.cos %mul3A_1145 : vector<1x2048xf32>
    %convert_element_type3A_1149 = arith.truncf %cos3A_1148 : vector<1x2048xf32> to vector<1x2048xbf16>
    %log1p3A_1150 = math.log1p %get3A_1101 : vector<1x2048xf32>
    %lt3A_1151 = vector.broadcast %get3A_10 : vector<16x1xf32> to vector<16x2048xf32>
    %lt3A_1152 = vector.broadcast %log1p3A_1150 : vector<1x2048xf32> to vector<16x2048xf32>
    %lt3A_1153 = arith.cmpf olt, %lt3A_1151, %lt3A_1152 : vector<16x2048xf32>
    %convert_element_type3A_1154 = arith.extui %lt3A_1153 : vector<16x2048xi1> to vector<16x2048xi32>
    %reduce_sum3A_1155 = arith.constant dense<0> : vector<2048xi32>
    %reduce_sum3A_1156 = vector.multi_reduction <add>, %convert_element_type3A_1154, %reduce_sum3A_1155 [0] : vector<16x2048xi32> to vector<2048xi32>
    %broadcast_in_dim3A_1157 = vector.shape_cast %reduce_sum3A_1156 : vector<2048xi32> to vector<1x2048xi32>
    %sub3A_1158 = arith.constant 1 : i32
    %sub3A_1159 = vector.broadcast %sub3A_1158 : i32 to vector<1x2048xi32>
    %sub3A_1160 = arith.subi %broadcast_in_dim3A_1157, %sub3A_1159 : vector<1x2048xi32>
    %jit3A_1161 = arith.constant 0 : i32
    %jit3A_1162 = arith.constant 9 : i32
    %max3A_1163 = vector.broadcast %jit3A_1161 : i32 to vector<1x2048xi32>
    %max3A_1164 = arith.maxsi %max3A_1163, %sub3A_1160 : vector<1x2048xi32>
    %min3A_1165 = vector.broadcast %jit3A_1162 : i32 to vector<1x2048xi32>
    %min3A_1166 = arith.minsi %min3A_1165, %max3A_1164 : vector<1x2048xi32>
    %convert_element_type3A_1167 = arith.sitofp %get3A_1095 : vector<1x2048xi32> to vector<1x2048xbf16>
    %add3A_1168 = arith.constant 8 : i32
    %add3A_1169 = vector.broadcast %add3A_1168 : i32 to vector<1x2048xi32>
    %add3A_1170 = arith.addi %min3A_1141, %add3A_1169 : vector<1x2048xi32>
    %convert_element_type3A_1171 = arith.sitofp %add3A_1170 : vector<1x2048xi32> to vector<1x2048xbf16>
    %add3A_1172 = arith.constant 32 : i32
    %add3A_1173 = vector.broadcast %add3A_1172 : i32 to vector<1x2048xi32>
    %add3A_1174 = arith.addi %min3A_1166, %add3A_1173 : vector<1x2048xi32>
    %convert_element_type3A_1175 = arith.sitofp %add3A_1174 : vector<1x2048xi32> to vector<1x2048xbf16>
    %add3A_1176 = arith.constant 42 : i32
    %add3A_1177 = vector.broadcast %add3A_1176 : i32 to vector<1x2048xi32>
    %add3A_1178 = arith.addi %get3A_1104, %add3A_1177 : vector<1x2048xi32>
    %convert_element_type3A_1179 = arith.sitofp %add3A_1178 : vector<1x2048xi32> to vector<1x2048xbf16>
    %slice3A_1180 = vector.extract_strided_slice %convert_element_type3A_11 {offsets = [0, 0], sizes = [16, 2048], strides = [1, 1]} : vector<64x2048xbf16> to vector<16x2048xbf16>
    %slice3A_1181 = vector.extract_strided_slice %convert_element_type3A_11 {offsets = [16, 0], sizes = [16, 2048], strides = [1, 1]} : vector<64x2048xbf16> to vector<16x2048xbf16>
    %slice3A_1182 = vector.extract_strided_slice %convert_element_type3A_11 {offsets = [32, 0], sizes = [16, 2048], strides = [1, 1]} : vector<64x2048xbf16> to vector<16x2048xbf16>
    %slice3A_1183 = vector.extract_strided_slice %convert_element_type3A_11 {offsets = [48, 0], sizes = [16, 2048], strides = [1, 1]} : vector<64x2048xbf16> to vector<16x2048xbf16>
    %eq3A_1184 = vector.broadcast %convert_element_type3A_1167 : vector<1x2048xbf16> to vector<16x2048xbf16>
    %eq3A_1185 = arith.cmpf oeq, %slice3A_1180, %eq3A_1184 : vector<16x2048xbf16>
    %eq3A_1186 = arith.constant 7.000000e+00 : bf16
    %eq3A_1187 = vector.broadcast %eq3A_1186 : bf16 to vector<16x2048xbf16>
    %eq3A_1188 = arith.cmpf oeq, %slice3A_1180, %eq3A_1187 : vector<16x2048xbf16>
    %or3A_1189 = arith.ori %eq3A_1185, %eq3A_1188 : vector<16x2048xi1>
    %eq3A_1190 = vector.broadcast %convert_element_type3A_1171 : vector<1x2048xbf16> to vector<16x2048xbf16>
    %eq3A_1191 = arith.cmpf oeq, %slice3A_1180, %eq3A_1190 : vector<16x2048xbf16>
    %or3A_1192 = arith.ori %or3A_1189, %eq3A_1191 : vector<16x2048xi1>
    %convert_element_type3A_1193 = arith.extui %or3A_1192 : vector<16x2048xi1> to vector<16x2048xi32>
    %convert_element_type3A_1194 = arith.sitofp %convert_element_type3A_1193 : vector<16x2048xi32> to vector<16x2048xf32>
    %convert_element_type3A_1195 = arith.truncf %convert_element_type3A_1194 : vector<16x2048xf32> to vector<16x2048xbf16>
    %eq3A_1196 = vector.broadcast %convert_element_type3A_1171 : vector<1x2048xbf16> to vector<16x2048xbf16>
    %eq3A_1197 = arith.cmpf oeq, %slice3A_1181, %eq3A_1196 : vector<16x2048xbf16>
    %convert_element_type3A_1198 = arith.extui %eq3A_1197 : vector<16x2048xi1> to vector<16x2048xi32>
    %convert_element_type3A_1199 = arith.sitofp %convert_element_type3A_1198 : vector<16x2048xi32> to vector<16x2048xf32>
    %convert_element_type3A_1200 = arith.truncf %convert_element_type3A_1199 : vector<16x2048xf32> to vector<16x2048xbf16>
    %eq3A_1201 = vector.broadcast %convert_element_type3A_1175 : vector<1x2048xbf16> to vector<16x2048xbf16>
    %eq3A_1202 = arith.cmpf oeq, %slice3A_1182, %eq3A_1201 : vector<16x2048xbf16>
    %eq3A_1203 = vector.broadcast %convert_element_type3A_1179 : vector<1x2048xbf16> to vector<16x2048xbf16>
    %eq3A_1204 = arith.cmpf oeq, %slice3A_1182, %eq3A_1203 : vector<16x2048xbf16>
    %or3A_1205 = arith.ori %eq3A_1202, %eq3A_1204 : vector<16x2048xi1>
    %convert_element_type3A_1206 = arith.extui %or3A_1205 : vector<16x2048xi1> to vector<16x2048xi32>
    %convert_element_type3A_1207 = arith.sitofp %convert_element_type3A_1206 : vector<16x2048xi32> to vector<16x2048xf32>
    %convert_element_type3A_1208 = arith.truncf %convert_element_type3A_1207 : vector<16x2048xf32> to vector<16x2048xbf16>
    %eq3A_1209 = vector.broadcast %convert_element_type3A_1179 : vector<1x2048xbf16> to vector<16x2048xbf16>
    %eq3A_1210 = arith.cmpf oeq, %slice3A_1183, %eq3A_1209 : vector<16x2048xbf16>
    %eq3A_1211 = arith.constant 5.000000e+01 : bf16
    %eq3A_1212 = vector.broadcast %eq3A_1211 : bf16 to vector<16x2048xbf16>
    %eq3A_1213 = arith.cmpf oeq, %slice3A_1183, %eq3A_1212 : vector<16x2048xbf16>
    %eq3A_1214 = arith.constant 5.100000e+01 : bf16
    %eq3A_1215 = vector.broadcast %eq3A_1214 : bf16 to vector<16x2048xbf16>
    %eq3A_1216 = arith.cmpf oeq, %slice3A_1183, %eq3A_1215 : vector<16x2048xbf16>
    %jit3A_1217 = arith.constant 0.000000e+00 : bf16
    %broadcast_in_dim3A_1218 = vector.shape_cast %convert_element_type3A_1149 : vector<1x2048xbf16> to vector<1x2048xbf16>
    %broadcast_in_dim3A_1219 = vector.broadcast %broadcast_in_dim3A_1218 : vector<1x2048xbf16> to vector<16x2048xbf16>
    %broadcast_in_dim3A_1220 = vector.broadcast %jit3A_1217 : bf16 to vector<16x2048xbf16>
    %select_n3A_1221 = arith.select %eq3A_1216, %broadcast_in_dim3A_1219, %broadcast_in_dim3A_1220 : vector<16x2048xi1>, vector<16x2048xbf16>
    %broadcast_in_dim3A_1222 = vector.shape_cast %convert_element_type3A_1147 : vector<1x2048xbf16> to vector<1x2048xbf16>
    %broadcast_in_dim3A_1223 = vector.broadcast %broadcast_in_dim3A_1222 : vector<1x2048xbf16> to vector<16x2048xbf16>
    %select_n3A_1224 = arith.select %eq3A_1213, %broadcast_in_dim3A_1223, %select_n3A_1221 : vector<16x2048xi1>, vector<16x2048xbf16>
    %jit3A_1225 = arith.constant 1.000000e+00 : bf16
    %broadcast_in_dim3A_1226 = vector.broadcast %jit3A_1225 : bf16 to vector<16x2048xbf16>
    %select_n3A_1227 = arith.select %eq3A_1210, %broadcast_in_dim3A_1226, %select_n3A_1224 : vector<16x2048xi1>, vector<16x2048xbf16>
    %concatenate3A_1228 = tpu.concatenate %convert_element_type3A_1195, %convert_element_type3A_1200, %convert_element_type3A_1208, %select_n3A_1227 in 0 : vector<16x2048xbf16>, vector<16x2048xbf16>, vector<16x2048xbf16>, vector<16x2048xbf16> -> vector<64x2048xbf16>
    %dot_general3A_1229 = arith.constant dense<0.000000e+00> : vector<64x2048xf32>
    %dot_general3A_1230 = tpu.matmul %convert_element_type3A, %concatenate3A_1228, %dot_general3A_1229 {dimension_numbers = #tpu.dot_dimension_numbers<[1], [0], [0], [1], [0, 0, 1, 1], [], []>, transpose_lhs_hint = false} : vector<64x64xbf16>, vector<64x2048xbf16>, vector<64x2048xf32> -> vector<64x2048xf32>
    %mul3A_1231 = arith.mulf %dot_general3A_1230, %dot_general3A_1230 : vector<64x2048xf32>
    %reduce_sum3A_1232 = arith.constant dense<0.000000e+00> : vector<2048xf32>
    %reduce_sum3A_1233 = vector.multi_reduction <add>, %mul3A_1231, %reduce_sum3A_1232 [0] : vector<64x2048xf32> to vector<2048xf32>
    %broadcast_in_dim3A_1234 = vector.shape_cast %reduce_sum3A_1233 : vector<2048xf32> to vector<1x2048xf32>
    %mul3A_1235 = arith.constant 1.562500e-02 : f32
    %mul3A_1236 = vector.broadcast %mul3A_1235 : f32 to vector<1x2048xf32>
    %mul3A_1237 = arith.mulf %broadcast_in_dim3A_1234, %mul3A_1236 : vector<1x2048xf32>
    %add3A_1238 = arith.constant 9.99999974E-6 : f32
    %add3A_1239 = vector.broadcast %add3A_1238 : f32 to vector<1x2048xf32>
    %add3A_1240 = arith.addf %mul3A_1237, %add3A_1239 : vector<1x2048xf32>
    %rsqrt3A_1241 = math.rsqrt %add3A_1240 : vector<1x2048xf32>
    %mul3A_1242 = vector.broadcast %rsqrt3A_1241 : vector<1x2048xf32> to vector<64x2048xf32>
    %mul3A_1243 = arith.mulf %dot_general3A_1230, %mul3A_1242 : vector<64x2048xf32>
    %add3A_1244 = vector.broadcast %get3A_7 : vector<64x1xf32> to vector<64x2048xf32>
    %add3A_1245 = arith.addf %mul3A_1243, %add3A_1244 : vector<64x2048xf32>
    %dot_general3A_1246 = arith.constant dense<0.000000e+00> : vector<2048x64xf32>
    %dot_general3A_1247 = tpu.matmul %add3A_1245, %get3A_4, %dot_general3A_1246 {dimension_numbers = #tpu.dot_dimension_numbers<[0], [0], [1], [1], [0, 1, 1, 1], [], []>, transpose_lhs_hint = false} : vector<64x2048xf32>, vector<64x64xf32>, vector<2048x64xf32> -> vector<2048x64xf32>
    %swap3A_1248 = arith.constant 14336 : index
    %swap3A_1249 = arith.constant 0 : index
    %swap3A_1250 = vector.load %arg9[%swap3A_1248, %swap3A_1249] : memref<16384x64xf32, #tpu.memory_space<vmem>>, vector<2048x64xf32>
    tpu.vector_store %arg9[%swap3A_1248, %swap3A_1249], %dot_general3A_1247 {strides = array<i32>} : memref<16384x64xf32, #tpu.memory_space<vmem>>, vector<2048x64xf32>,
    return
  }
  func.func @transform_0(%arg0: i32) -> (i32, i32) {
    %c0_i32 = arith.constant 0 : i32
    %c0_i32_0 = arith.constant 0 : i32
    return %arg0, %c0_i32 : i32, i32
  }
  func.func @transform_1(%arg0: i32) -> (i32, i32) {
    %c0_i32 = arith.constant 0 : i32
    %c0_i32_0 = arith.constant 0 : i32
    return %arg0, %c0_i32 : i32, i32
  }
  func.func @transform_2(%arg0: i32) -> (i32, i32) {
    %c0_i32 = arith.constant 0 : i32
    %c0_i32_0 = arith.constant 0 : i32
    return %arg0, %c0_i32 : i32, i32
  }
  func.func @transform_3(%arg0: i32) -> (i32, i32) {
    %c0_i32 = arith.constant 0 : i32
    %c0_i32_0 = arith.constant 0 : i32
    return %arg0, %c0_i32 : i32, i32
  }
  func.func @transform_4(%arg0: i32) -> (i32, i32) {
    %c0_i32 = arith.constant 0 : i32
    %c0_i32_0 = arith.constant 0 : i32
    %c0_i32_1 = arith.constant 0 : i32
    return %c0_i32, %c0_i32_0 : i32, i32
  }
  func.func @transform_5(%arg0: i32) -> (i32, i32) {
    %c0_i32 = arith.constant 0 : i32
    %c0_i32_0 = arith.constant 0 : i32
    %c0_i32_1 = arith.constant 0 : i32
    return %c0_i32, %c0_i32_0 : i32, i32
  }
  func.func @transform_6(%arg0: i32) -> (i32, i32) {
    %c0_i32 = arith.constant 0 : i32
    %c0_i32_0 = arith.constant 0 : i32
    %c0_i32_1 = arith.constant 0 : i32
    return %c0_i32, %c0_i32_0 : i32, i32
  }
  func.func @transform_7(%arg0: i32) -> (i32, i32) {
    %c0_i32 = arith.constant 0 : i32
    %c0_i32_0 = arith.constant 0 : i32
    %c0_i32_1 = arith.constant 0 : i32
    return %c0_i32, %c0_i32_0 : i32, i32
  }
  func.func @transform_8(%arg0: i32) -> (i32, i32) {
    %c0_i32 = arith.constant 0 : i32
    %c0_i32_0 = arith.constant 0 : i32
    return %arg0, %c0_i32 : i32, i32
  }
}

</mosaic_0001>

<sc_bundles>
// kernel: sparse-core-data-format-call.cloned.1.call-start
scs
called_computation_lowered:
.L_overlay_start_0:
0x0: {  	s2 =	sld [smem:$0x3FD9]  }
0x1: {  	s3 =	sld [smem:$0x3FFE];
	_ =	sdelay $0x1  }
0x2: {  	s1 =	srdreg.scid  }
0x3: {  	s0 =	sand.u32 $0x1, s1  }
0x4: {  	s18 =	sshll.u32 s0, $0xA;
	s2 =	sadd.s32 s3, s2  }
0x5: {  	s2 =	sadd.s32 s2, s18  }
0x6: {  	[smem:$0x3FBB] =	sst s2  }
0x7: {  	_ = 	snop  }
0x8: {  	s2 =	sld [smem:$0x3FD0];
	(tm) =	ssettm $0x1  }
0x9: {  	s19 =	sld [smem:$0x3FFB];
	_ =	sdelay $0x3  }
0xa: {  	_ =	strace s19  }
0xb: {  	s3 =	sld [smem:$0x3FFC];
	_ =	sdelay $0x3  }
0xc: {  	_ =	strace s3  }
0xd: {  	s3 =	sld [smem:$0x3FFD];
	_ =	sdelay $0x3  }
0xe: {  	_ =	strace s3  }
0xf: {  	_ =	strace $0x8FFFFFFF  }
0x10: {  	s20 =	sld [smem:$0x3FDB];
	_ =	sdelay $0x1  }
0x11: {  	s4 =	simm.s32 $_scs_section_size  }
0x12: {  	s5 =	simm.s32 $_size__tile_overlayer_lowered;
	s6 =	simm.s32 $_tile_overlayer_lowered  }
0x13: {  	s23 =	simm.s32 $0x1BFF;
	s22 =	sshll.u32 s6, $0x1;
	s3 =	sadd.s32 s4, s20  }
0x14: {  	s7 =	simm.s32 $0x0;
	s21 =	sshll.u32 s5, $0x1;
	s5 =	sadd.s32 s22, s3  }
0x15: {  	[timem:s7], [sflag:s23] =	dma.local [hbm:s5], s21  }
0x16: {  	_ =	swait.ge [sflag:s23], s21  }
0x17: {  	s4 =	ssub.s32 $0x0, s21;
	[sflag:s23] =	ssyncset.done $0x0  }
0x18: {  	[sflag:s23] =	ssyncadd.s32 s4;
	_ =	sdelay $0x1  }
0x19: {  	s24 =	simm.s32 $0x1B8B  }
0x1a: {  	_ =	swait.ge [sflag:s24], $0x1  }
0x1b: {  	[sflag:s24] =	ssyncset.done $0x0  }
0x1c: {  	s26 =	simm.s32 $0x1B8E;
	s25 =	sld [smem:$0x3FFE];
	[sflag:s24] =	ssyncadd.s32 $0xFFFFFFFF  }
0x1d: {  	s27 =	simm.s32 $execute0_lowered;
	[smem:$0x3FD2] =	sst s26  }
0x1e: {  	s5 =	sshll.u32 s27, $0x1;
	_ =	strace $0x80000046;
	[dreg:$0x1] =	wrdreg $0xFFFFFFFF  }
0x1f: {  	s28 =	simm.s32 $_size_execute0_lowered;
	s3 =	sadd.s32 s3, s5;
	[dreg:$0x0] =	wrdreg $0x0  }
0x20: {  	s5 =	sshll.u32 s28, $0x1;
	[dreg:$0x2] =	wrdreg s3  }
0x21: {  	[dreg:$0x3] =	wrdreg s5  }
0x22: {  	[dreg:$0x4] =	wrdreg $0xC0  }
0x23: {  	_ =	task [dreg:s7], $0x5FFFF  }
0x24: {  	[dreg:$0x1] =	wrdreg $0xFFFFFFFF  }
0x25: {  	[dreg:$0x0] =	wrdreg $0x60  }
0x26: {  	[dreg:$0x2] =	wrdreg s25  }
0x27: {  	[dreg:$0x3] =	wrdreg s2  }
0x28: {  	[dreg:$0x4] =	wrdreg $0x9  }
0x29: {  	_ =	task.clear_ibuf [dreg:s7], $0x5FFFF;
	_ =	strace $0x90000046  }
0x2a: {  	s29 =	simm.s32 $0x9;
	_ =	strace $0x80000048  }
0x2b: {  	_ =	swait.ge [sflag:s29], $0x1  }
0x2c: {  	[sflag:s29] =	ssyncadd.s32 $0xFFFFFFFF  }
0x2d: {  	_ =	strace $0x90000048  }
0x2e: {  	_ =	sfence  }
0x2f: {  	s30 =	sld [smem:$0x0];
	_ =	sdelay $0x2  }
0x30: {  	s31 =	sshll.u32 s1, $0xD;
	s1 =	sshrl.u32 s1, $0x2  }
0x31: {  	s3 =	sand.u32 $0x4000, s31;
	s1 =	sadd.s32 s1, s30  }
0x32: {  	s0 =	sor.u32 s3, s0;
	s1 =	sshll.u32 s1, $0x11  }
0x33: {  	s0 =	sor.u32 s1, s0  }
0x34: {  	s0 =	sadd.s32 $0x8F2B, s0  }
0x35: {  	[sflag:s0] =	ssyncadd.remote.s32 $0x1  }
0x36: {  	_ =	sfence.sel $0xFFFF  }
0x37: {  	[dreg:$0x0] =	wrdreg $0xFFFFFFFF;
	(pc) =	sbr.abs _section_cstart, $3  }
0x38: {  	[dreg:$0x1] =	wrdreg $0xFFFFFFFF  }
0x39: {  	_ =	task.clear_ibuf [dreg:s7], $0x2FFFF;
	_ =	strace $0x9FFFFFFF  }
0x3a: {  	(tm) =	ssettm $0x7FFFFFFF  }
0x3b: {  	_ =	shalt  }
tec
execute0_lowered:
.L_overlay_start_1:
0x0: {  	(tag) =	ssettag $0x1  }
0x1: {  	s0 =	srdreg.scid  }
0x2: {  	s1 =	sshll.u32 s0, $0x4  }
0x3: {  	s0 =	stileid.u32;
	s1 =	sand.u32 $0x10, s1  }
0x4: {  	s1 =	sor.u32 s0, s1  }
0x5: {  	s6 =	rddreg [dreg:$0x0];
	s4 =	simm.s32 $0x1;
	s2 =	sshll.u32 s1, $0x7  }
0x6: {  	s7 =	simm.s32 $0x2;
	s12 =	simm.s32 $0x0;
	s1 =	ssub.s32 $0x1000, s2  }
0x7: {  	s8 =	simm.s32 $0x8000;
	s13 =	simm.s32 $0x0;
	s3 =	sand.u32 $0xF80, s1  }
0x8: {  	s9 =	simm.s32 $0x0;
	s5 =	sshrl.u32 s1, $0xC;
	p0 =	sne.s32 s3, $0x0  }
.Ltmp0:
0x9: {  	s1 =	rddreg [dreg:$0x2];
	s4 =	simm.s32 @!p0 $0x0;
	(pc) =	sbr.rel .LBB1_1-.Ltmp0, $4  }
0xa: {  	s11 =	simm.s32 $0x0;
	s3 =	rddreg [dreg:$0x1];
	s5 =	sadd.s32 s4, s5  }
0xb: {  	_ =	strace $0x80000047;
	s4 =	simm.s32 $0x1;
	s5 =	smul.u32 $0xC8, s5  }
0xc: {  	s6 =	sadd.s32 $0xE00, s6;
	s10 =	smov.u32 s2;
	[sflag:s4] =	ssyncpa.u1 $0x0  }
0xd: {  	p0 =	por $0x0, $0x0;
	[sflag:s7] =	ssyncpa.u1 $0x0;
	s7 =	sor.u32 $0x1, s5  }
.LBB1_4:
0xe: {  	s16 =	sshll.u32 s13, $0x3;
	s17 =	sand.u32 $0x78, s13  }
0xf: {  	s30 =	sand.u32 $0x7E00, s13;
	s12 =	sshll.u32 s12, $0xF;
	s16 =	sand.u32 $0xC00, s16  }
0x10: {  	[tilespmem:s15+$0x810 ss:$0x81] =	vst.msk $0xffff, v2;
	s31 =	sand.u32 $0x7, s13;
	s16 =	sor.u32 s17, s16;
	s17 =	sadd.s32 s3, s30  }
0x11: {  	[tilespmem:s15+$0x1020 ss:$0x81] =	vst.msk $0xffff, v0;
	s13 =	sshll.u32 s31, $0x12;
	s12 =	sadd.s32 s12, s17;
	s16 =	sshrl.u32 s16, $0x3  }
0x12: {  	[tilespmem:s15+$0x0 ss:$0x81] =	vst.msk $0xffff, v1;
	s13 =	sor.u32 $0x400, s13;
	s12 =	sadd.s32 s16, s12  }
0x13: {  	[hbm4b:s12+s13] =	stream.strided.scatter [tilespmem:s14], [sflag:$0x2], $0x2000, s8, s13, $0x20;
	[tilespmem:$0x8080] =	vst v63  }
.LBB1_5:
0x14: {  	s14 =	sadd.s32 $0x1, s9  }
0x15: {  	s12 =	sadd.s32 $0x1000, s10;
	s16 =	smov.u32 s10;
	p2 =	sgt.s32 s14, $0xC7  }
0x16: {  	s16 =	smov.u32 @p2 s12  }
0x17: {  	s14 =	simm.s32 @p2 $0x0;
	p2 =	sgt.s32 s16, $0xFFF  }
0x18: {  	s16 =	smov.u32 @p2 s2;
	p2 =	sne.s32 s11, s7  }
.Ltmp1:
0x19: {  	p1 =	slt.u32 s11, $0x2;
	(pc) =	sbr.rel @!p2 .LBB1_6-.Ltmp1, $4  }
0x1a: {  	s15 =	simm.s32 @!p1 $0x2  }
0x1b: {  	s13 =	smov.u32 s10;
	p0 =	por !p0, !p0;
	_ =	swait.ge @!p1 [sflag:s15], $0x2000  }
0x1c: {  	s12 =	smov.u32 s9;
	[sflag:s15] =	ssyncset.done @!p1 $0x0;
	s9 =	smov.u32 s14  }
0x1d: {  	s11 =	sadd.s32 $0x1, s11;
	[sflag:s15] =	ssyncadd.s32 @!p1 $0xFFFFE000;
	s10 =	smov.u32 s16  }
.LBB1_1:
0x1e: {  	p1 =	sge.u32 s11, s5  }
0x1f: {  	s14 =	sand.u32 @!p1 $0x1FFFFFF, s9  }
0x20: {  	s15 =	smulhi.u32 @!p1 $0x147AE15, s14;
	_ =	sdelay $0x1  }
0x21: {  	s15 =	smul.u32 @!p1 $0xC8, s15  }
0x22: {  	s16 =	sxor.u32 @!p1 $0xFFFFFFFF, s11;
	s17 =	smul.u32 @!p1 $0xC80, s10  }
0x23: {  	s31 =	sadd.s32 $0xFFFFFFFF, s11;
	s16 =	sshll.u32 @!p1 s16, $0xD;
	s14 =	ssub.s32 @!p1 s14, s15  }
0x24: {  	s15 =	sand.u32 @!p1 $0x2000, s16;
	s16 =	sadd.s32 @!p1 s6, s17;
	s14 =	sshll.u32 @!p1 s14, $0x4  }
0x25: {  	s17 =	simm.s32 @!p1 $0x6400;
	s14 =	sadd.s32 @!p1 s14, s16;
	s16 =	simm.s32 @!p1 $0x40  }
0x26: {  	[tilespmem:s15], [sflag:$0x1] =	stream.strided.gather @!p1 [hbm4b:s14+s16], $0x2000, s17, s16, $0x38;
	[tilespmem:$0x8080] =	vst v63  }
0x27: {  	p1 =	sge.u32 s31, s5  }
.Ltmp2:
0x28: {  	_ = 	snop;
	(pc) =	sbr.rel @p1 .LBB1_5-.Ltmp2, $1  }
0x29: {  	_ =	sdelay $0x3  }
0x2a: {  	s14 =	simm.s32 $0x1  }
0x2b: {  	_ =	swait.ge [sflag:s4], $0x2000;
	s14 =	simm.s32 @!p0 $0x0  }
0x2c: {  	[sflag:s4] =	ssyncset.done $0x0;
	s15 =	sshll.u32 s14, $0xD  }
0x2d: {  	[sflag:s4] =	ssyncadd.s32 $0xFFFFE000;
	s18 =	sor.u32 $0x20, s15  }
0x2e: {  	s14 =	smul.u32 $0x8100, s14;
	v3 =	vld [tilespmem:s18+$0x10]  }
0x2f: {  	s30 =	sand.u32 $0x1, s11;
	v2 =	vld [tilespmem:s18+$0xFFFFFFF0]  }
0x30: {  	s15 =	smul.u32 $0x8100, s30;
	s14 =	sshrl.u32 s14, $0x2;
	v0 =	vld [tilespmem:s18+$0x0]  }
0x31: {  	v1 =	vld [tilespmem:s18+$0xFFFFFFE0];
	s16 =	sor.u32 $0x4000, s14  }
0x32: {  	s31 =	sshrl.u32 s15, $0x2;
	s15 =	sadd.s32 $0x0, s16  }
0x33: {  	s17 =	simm.s32 $0x4;
	s18 =	sadd.s32 $0x40, s18;
	s14 =	sor.u32 $0x4000, s31;
	[tilespmem:s15+$0x1830 ss:$0x81] =	vst.msk $0xffff, v3  }
.LBB1_3:
0x34: {  	v3 =	vld [tilespmem:s18+$0x10];
	p1 =	sne.s32 s17, $0x1FC;
	[tilespmem:s15+$0x810 ss:$0x81] =	vst.msk $0xffff, v2;
	s19 =	smov.u32 s17;
	s17 =	sadd.s32 $0x4, s17  }
.Ltmp3:
0x35: {  	v2 =	vld [tilespmem:s18+$0xFFFFFFF0];
	[tilespmem:s15+$0x1020 ss:$0x81] =	vst.msk $0xffff, v0;
	(pc) =	sbr.rel @p1 .LBB1_3-.Ltmp3, $4  }
0x36: {  	v0 =	vld [tilespmem:s18+$0x0];
	[tilespmem:s15+$0x0 ss:$0x81] =	vst.msk $0xffff, v1  }
0x37: {  	s15 =	sshra.s32 s19, $0x2;
	v1 =	vld [tilespmem:s18+$0xFFFFFFE0]  }
0x38: {  	s15 =	sadd.s32 s15, s16  }
0x39: {  	s18 =	sadd.s32 $0x40, s18;
	[tilespmem:s15+$0x1830 ss:$0x81] =	vst.msk $0xffff, v3  }
.Ltmp4:
0x3a: {  	_ = 	snop;
	(pc) =	sbr.rel .LBB1_4-.Ltmp4, $1  }
0x3b: {  	_ =	sdelay $0x3  }
.LBB1_6:
0x3c: {  	_ =	sfence.sel $0x180000  }
0x3d: {  	s2 =	simm.s32 $0x1;
	[bflag:$0x0] =	sbarrier.arrive $0xFFFF  }
0x3e: {  	s31 =	simm.s32 $0x2;
	[sflag:s2] =	ssyncpa.u1 $0x1  }
0x3f: {  	[sflag:s31] =	ssyncpa.u1 $0x1  }
0x40: {  	p0 =	sne.s32 s0, $0x0;
	_ =	strace $0x90000047  }
0x41: {  	s0 =	sadd.s32 @!p0 $0x100000, s1;
	[bflag:$0x2] =	sbarrier.arrive $0xFFFF  }
0x42: {  	[sflag:s0] =	ssyncadd.tile.s32 @!p0 $0x1;
	_ =	shalt  }
.Lfunc_end1:
_tile_overlayer_lowered:
.L_overlay_start_2:
0x43: {  	(tag) =	ssettag $0x2  }
0x44: {  	s0 =	rddreg [dreg:$0x0];
	s2 =	stileid.u32  }
0x45: {  	s1 =	rddreg [dreg:$0x1];
	p0 =	sne.s32 s2, $0x0  }
0x46: {  	s3 =	rddreg [dreg:$0x2];
	[bflag:$0x3] =	sbarrier.arrive $0xFFFF;
	s2 =	simm.s32 @!p0 $0x1C01  }
0x47: {  	[timem:s3], [sflag:s2] =	dma.local @!p0 [hbm:s0], s1  }
0x48: {  	s0 =	simm.s32 @!p0 $0x1  }
0x49: {  	_ =	swait.ge @!p0 [sflag:s0], s1  }
0x4a: {  	s1 =	ssub.s32 @!p0 $0x0, s1;
	[sflag:s0] =	ssyncset.done @!p0 $0x0  }
0x4b: {  	[sflag:s0] =	ssyncadd.s32 @!p0 s1  }
0x4c: {  	[bflag:$0x3] =	sbarrier.arrive $0xFFFF  }
0x4d: {  	_ =	shalt  }

</sc_bundles>
